<compile_context>
chip_gen: v7x
topology: tpu7x:2x2x1
jax: 0.10.2.dev20260603
libtpu: 0.0.44.dev20260713+nightly
codegen_flags: <defaults>
</compile_context>

<pallas_src>
import functools

import jax
import jax.numpy as jnp
from jax import lax
from jax.experimental import pallas as pl
from jax.experimental.pallas import tpu as pltpu
from jax.experimental.pallas import tpu_sc as plsc

NC = 2
NS = 16
NW = NC * NS

CHUNK = 128
K = 8


def _make_gather(n, vocab, dim):
    assert n % (NW * CHUNK * K) == 0
    per_w = n // NW
    n_chunks = per_w // CHUNK
    n_groups = n_chunks // K

    mesh = plsc.VectorSubcoreMesh(core_axis_name="c", subcore_axis_name="s")

    @functools.partial(
        pl.kernel,
        out_type=jax.ShapeDtypeStruct((n, dim), jnp.float32),
        mesh=mesh,
        compiler_params=pltpu.CompilerParams(use_tc_tiling_on_sc=False),
        scratch_types=[
            pltpu.VMEM((per_w,), jnp.int32),
            pltpu.VMEM((K, CHUNK, dim), jnp.float32),
        ] + [pltpu.SemaphoreType.DMA] * (2 * K),
    )
    def gather_kernel(idx_hbm, table_hbm, out_hbm, idx_v, rows_v, *sems):
        gsem, wsem = sems[:K], sems[K:]
        wid = lax.axis_index("s") * NC + lax.axis_index("c")
        base = wid * per_w

        pltpu.sync_copy(idx_hbm.at[pl.ds(base, per_w)], idx_v)

        def fire_gather(c, b):
            pltpu.async_copy(
                table_hbm.at[idx_v.at[pl.ds(c * CHUNK, CHUNK)]],
                rows_v.at[b], gsem[b])

        def wait_gather(c, b):
            pltpu.make_async_copy(
                table_hbm.at[idx_v.at[pl.ds(c * CHUNK, CHUNK)]],
                rows_v.at[b], gsem[b]).wait()

        def fire_write(c, b):
            pltpu.async_copy(
                rows_v.at[b], out_hbm.at[pl.ds(base + c * CHUNK, CHUNK)],
                wsem[b])

        def wait_write(c, b):
            pltpu.make_async_copy(
                rows_v.at[b], out_hbm.at[pl.ds(base + c * CHUNK, CHUNK)],
                wsem[b]).wait()

        for b in range(K):
            fire_gather(b, b)

        def group_body(g, _):
            for b in range(K):
                j = (g - 1) * K + b
                wait_gather(j, b)
                fire_write(j, b)
            for b in range(K):
                j = (g - 1) * K + b
                wait_write(j, b)
                fire_gather(g * K + b, b)
            return 0

        lax.fori_loop(1, n_groups, group_body, 0)

        for b in range(K):
            j = (n_groups - 1) * K + b
            wait_gather(j, b)
            fire_write(j, b)
        for b in range(K):
            j = (n_groups - 1) * K + b
            wait_write(j, b)

    return gather_kernel


def kernel(x, table):
    vocab, dim = table.shape
    if x.ndim != 4:
        raise ValueError(f"TokenEmbedding expects 4D input [B, H, W, C]. Got: {x.shape}")
    B, H, W = x.shape[0], x.shape[1], x.shape[2]
    if x.shape[-1] == vocab:
        xi = jnp.argmax(x, axis=-1).astype(jnp.int32).reshape(-1)
        n = B * H * W
    else:
        xi = x.astype(jnp.int32).reshape(-1)
        n = B * H * W * x.shape[3]
    out = _make_gather(n, vocab, dim)(xi, table)
    return out.reshape(B, H, W, dim)

# --- scband reference (transcript-rebuilt; emitter-appended) ---
"""Pipeline reference for scband-token-embedding-39101382263490 (READ-ONLY COPY).

The authoritative reference and input builder live on the scoring server;
editing this copy changes nothing except your own understanding.
"""

import jax, jax.numpy as jnp
import numpy as np

VOCAB = 100000
DIM = 64

def setup_inputs(seed: int = 0) -> dict:
    key = jax.random.key(seed)
    k1, k2 = jax.random.split(key)
    # x holds integer token ids stored as float32, shape [B, H, W, 1]
    x = jax.random.randint(k1, (64, 64, 64, 1), 0, VOCAB).astype(jnp.float32)
    # learned embedding table sized per init_kwargs (vocab_size, dim)
    table = jax.random.normal(k2, (VOCAB, DIM), dtype=jnp.float32) * 0.02
    return {"x": x, "table": table}

def reference(x, table):
    vocab, dim = table.shape
    if x.ndim != 4:
        raise ValueError(f"TokenEmbedding expects 4D input [B, H, W, C]. Got: {x.shape}")
    # static equivalent of tf.cond(tf.equal(tf.shape(x)[-1], vocab_size), ...)
    if x.shape[-1] == vocab:
        xi = jnp.argmax(x, axis=-1).astype(jnp.int32)
    else:
        xi = x.astype(jnp.int32)
    B, H, W = x.shape[0], x.shape[1], x.shape[2]
    flat_x = xi.reshape(-1)
    flat_emb = jnp.take(table, flat_x, axis=0)
    output = flat_emb.reshape(B, H, W, dim)
    return output

if __name__ == "__main__":
    import jax
    _d = setup_inputs()
    print(jax.jit(kernel)(*tuple(_d.values())))

</pallas_src>

<mosaic_0001>
#map = affine_map<(d0, d1) -> (0)>
#map1 = affine_map<(d0, d1) -> (0, 0)>
module attributes {stable_mosaic.version = 14 : i64} {
  func.func @gather_kernel(%arg0: i32, %arg1: i32, %arg2: memref<262144xi32, #tpu.memory_space<hbm>>, %arg3: memref<100000x64xf32, #tpu.memory_space<hbm>>, %arg4: memref<262144x64xf32, #tpu.memory_space<hbm>>, %arg5: memref<8192xi32, #tpu.memory_space<vmem>>, %arg6: memref<8x128x64xf32, #tpu.memory_space<vmem>>, %arg7: memref<!tpu.dma_semaphore, #tpu.memory_space<semaphore_mem>>, %arg8: memref<!tpu.dma_semaphore, #tpu.memory_space<semaphore_mem>>, %arg9: memref<!tpu.dma_semaphore, #tpu.memory_space<semaphore_mem>>, %arg10: memref<!tpu.dma_semaphore, #tpu.memory_space<semaphore_mem>>, %arg11: memref<!tpu.dma_semaphore, #tpu.memory_space<semaphore_mem>>, %arg12: memref<!tpu.dma_semaphore, #tpu.memory_space<semaphore_mem>>, %arg13: memref<!tpu.dma_semaphore, #tpu.memory_space<semaphore_mem>>, %arg14: memref<!tpu.dma_semaphore, #tpu.memory_space<semaphore_mem>>, %arg15: memref<!tpu.dma_semaphore, #tpu.memory_space<semaphore_mem>>, %arg16: memref<!tpu.dma_semaphore, #tpu.memory_space<semaphore_mem>>, %arg17: memref<!tpu.dma_semaphore, #tpu.memory_space<semaphore_mem>>, %arg18: memref<!tpu.dma_semaphore, #tpu.memory_space<semaphore_mem>>, %arg19: memref<!tpu.dma_semaphore, #tpu.memory_space<semaphore_mem>>, %arg20: memref<!tpu.dma_semaphore, #tpu.memory_space<semaphore_mem>>, %arg21: memref<!tpu.dma_semaphore, #tpu.memory_space<semaphore_mem>>, %arg22: memref<!tpu.dma_semaphore, #tpu.memory_space<semaphore_mem>>) attributes {dimension_semantics = [#tpu.dimension_semantics<core_parallel>, #tpu.dimension_semantics<subcore_parallel>], iteration_bounds = array<i64: 2, 16>, scalar_prefetch = 0 : i64, scratch_operands = 18 : i64, tpu.core_type = #tpu.core_type<sc_vector_subcore>, window_params = [{transform_indices = #map}, {transform_indices = #map1}, {transform_indices = #map1}]} {
    %mul3A = arith.constant 2 : i32
    %mul3A_0 = arith.muli %arg1, %mul3A : i32
    %add3A = arith.addi %mul3A_0, %arg0 : i32
    %mul3A_1 = arith.constant 8192 : i32
    %mul3A_2 = arith.muli %add3A, %mul3A_1 : i32
    "tpu.region"() ({
      %run_scoped3A = tpu.sem_alloc : memref<!tpu.dma_semaphore, #tpu.memory_space<semaphore_mem>>
      %dma_start3A_407 = tpu.memref_slice %arg2[%mul3A_2] : memref<262144xi32, #tpu.memory_space<hbm>> -> memref<8192xi32, #tpu.memory_space<hbm>>
      %dma_start3A_408 = tpu.memref_slice %arg2[%mul3A_2] : memref<262144xi32, #tpu.memory_space<hbm>> -> memref<8192xi32, #tpu.memory_space<hbm>>
      tpu.enqueue_dma source(%dma_start3A_408 : memref<8192xi32, #tpu.memory_space<hbm>>) target(%arg5 : memref<8192xi32, #tpu.memory_space<vmem>>) target_semaphore(%run_scoped3A : memref<!tpu.dma_semaphore, #tpu.memory_space<semaphore_mem>>)
      %dma_wait3A_409 = tpu.memref_slice %arg2[%mul3A_2] : memref<262144xi32, #tpu.memory_space<hbm>> -> memref<8192xi32, #tpu.memory_space<hbm>>
      %dma_wait3A_410 = tpu.memref_slice %arg2[%mul3A_2] : memref<262144xi32, #tpu.memory_space<hbm>> -> memref<8192xi32, #tpu.memory_space<hbm>>
      tpu.wait_dma2 semaphore(%run_scoped3A : memref<!tpu.dma_semaphore, #tpu.memory_space<semaphore_mem>>) src(%dma_wait3A_410 : memref<8192xi32, #tpu.memory_space<hbm>>) dst(%arg5 : memref<8192xi32, #tpu.memory_space<vmem>>)
      tpu.yield
    }) : () -> ()
    %dma_start3A = arith.constant 0 : i32
    %dma_start3A_3 = arith.constant 0 : i32
    %dma_start3A_4 = arith.constant 0 : i32
    %dma_start3A_5 = tpu.memref_slice %arg6[%dma_start3A, %dma_start3A_3, %dma_start3A_4] : memref<8x128x64xf32, #tpu.memory_space<vmem>> -> memref<1x128x64xf32, #tpu.memory_space<vmem>>
    %dma_start3A_6 = tpu.memref_squeeze %dma_start3A_5 : memref<1x128x64xf32, #tpu.memory_space<vmem>> -> memref<128x64xf32, #tpu.memory_space<vmem>>
    %dma_start3A_7 = arith.constant 0 : i32
    %dma_start3A_8 = tpu.memref_slice %arg5[%dma_start3A_7] : memref<8192xi32, #tpu.memory_space<vmem>> -> memref<128xi32, #tpu.memory_space<vmem>>
    %dma_start3A_9 = arith.constant 0 : i32
    %dma_start3A_10 = arith.constant 0 : i32
    %dma_start3A_11 = tpu.memref_slice %arg3[%dma_start3A_9, %dma_start3A_10] : memref<100000x64xf32, #tpu.memory_space<hbm>> -> memref<100000x64xf32, #tpu.memory_space<hbm>>
    tpu.enqueue_indirect_dma source(%dma_start3A_11 : memref<100000x64xf32, #tpu.memory_space<hbm>>) target(%dma_start3A_6 : memref<128x64xf32, #tpu.memory_space<vmem>>) offsets(%dma_start3A_8 : memref<128xi32, #tpu.memory_space<vmem>>) semaphore(%arg7 : memref<!tpu.dma_semaphore, #tpu.memory_space<semaphore_mem>>)
    %dma_start3A_12 = arith.constant 1 : i32
    %dma_start3A_13 = arith.constant 0 : i32
    %dma_start3A_14 = arith.constant 0 : i32
    %dma_start3A_15 = tpu.memref_slice %arg6[%dma_start3A_12, %dma_start3A_13, %dma_start3A_14] : memref<8x128x64xf32, #tpu.memory_space<vmem>> -> memref<1x128x64xf32, #tpu.memory_space<vmem>>
    %dma_start3A_16 = tpu.memref_squeeze %dma_start3A_15 : memref<1x128x64xf32, #tpu.memory_space<vmem>> -> memref<128x64xf32, #tpu.memory_space<vmem>>
    %dma_start3A_17 = arith.constant 128 : i32
    %dma_start3A_18 = tpu.memref_slice %arg5[%dma_start3A_17] : memref<8192xi32, #tpu.memory_space<vmem>> -> memref<128xi32, #tpu.memory_space<vmem>>
    %dma_start3A_19 = arith.constant 0 : i32
    %dma_start3A_20 = arith.constant 0 : i32
    %dma_start3A_21 = tpu.memref_slice %arg3[%dma_start3A_19, %dma_start3A_20] : memref<100000x64xf32, #tpu.memory_space<hbm>> -> memref<100000x64xf32, #tpu.memory_space<hbm>>
    tpu.enqueue_indirect_dma source(%dma_start3A_21 : memref<100000x64xf32, #tpu.memory_space<hbm>>) target(%dma_start3A_16 : memref<128x64xf32, #tpu.memory_space<vmem>>) offsets(%dma_start3A_18 : memref<128xi32, #tpu.memory_space<vmem>>) semaphore(%arg8 : memref<!tpu.dma_semaphore, #tpu.memory_space<semaphore_mem>>)
    %dma_start3A_22 = arith.constant 2 : i32
    %dma_start3A_23 = arith.constant 0 : i32
    %dma_start3A_24 = arith.constant 0 : i32
    %dma_start3A_25 = tpu.memref_slice %arg6[%dma_start3A_22, %dma_start3A_23, %dma_start3A_24] : memref<8x128x64xf32, #tpu.memory_space<vmem>> -> memref<1x128x64xf32, #tpu.memory_space<vmem>>
    %dma_start3A_26 = tpu.memref_squeeze %dma_start3A_25 : memref<1x128x64xf32, #tpu.memory_space<vmem>> -> memref<128x64xf32, #tpu.memory_space<vmem>>
    %dma_start3A_27 = arith.constant 256 : i32
    %dma_start3A_28 = tpu.memref_slice %arg5[%dma_start3A_27] : memref<8192xi32, #tpu.memory_space<vmem>> -> memref<128xi32, #tpu.memory_space<vmem>>
    %dma_start3A_29 = arith.constant 0 : i32
    %dma_start3A_30 = arith.constant 0 : i32
    %dma_start3A_31 = tpu.memref_slice %arg3[%dma_start3A_29, %dma_start3A_30] : memref<100000x64xf32, #tpu.memory_space<hbm>> -> memref<100000x64xf32, #tpu.memory_space<hbm>>
    tpu.enqueue_indirect_dma source(%dma_start3A_31 : memref<100000x64xf32, #tpu.memory_space<hbm>>) target(%dma_start3A_26 : memref<128x64xf32, #tpu.memory_space<vmem>>) offsets(%dma_start3A_28 : memref<128xi32, #tpu.memory_space<vmem>>) semaphore(%arg9 : memref<!tpu.dma_semaphore, #tpu.memory_space<semaphore_mem>>)
    %dma_start3A_32 = arith.constant 3 : i32
    %dma_start3A_33 = arith.constant 0 : i32
    %dma_start3A_34 = arith.constant 0 : i32
    %dma_start3A_35 = tpu.memref_slice %arg6[%dma_start3A_32, %dma_start3A_33, %dma_start3A_34] : memref<8x128x64xf32, #tpu.memory_space<vmem>> -> memref<1x128x64xf32, #tpu.memory_space<vmem>>
    %dma_start3A_36 = tpu.memref_squeeze %dma_start3A_35 : memref<1x128x64xf32, #tpu.memory_space<vmem>> -> memref<128x64xf32, #tpu.memory_space<vmem>>
    %dma_start3A_37 = arith.constant 384 : i32
    %dma_start3A_38 = tpu.memref_slice %arg5[%dma_start3A_37] : memref<8192xi32, #tpu.memory_space<vmem>> -> memref<128xi32, #tpu.memory_space<vmem>>
    %dma_start3A_39 = arith.constant 0 : i32
    %dma_start3A_40 = arith.constant 0 : i32
    %dma_start3A_41 = tpu.memref_slice %arg3[%dma_start3A_39, %dma_start3A_40] : memref<100000x64xf32, #tpu.memory_space<hbm>> -> memref<100000x64xf32, #tpu.memory_space<hbm>>
    tpu.enqueue_indirect_dma source(%dma_start3A_41 : memref<100000x64xf32, #tpu.memory_space<hbm>>) target(%dma_start3A_36 : memref<128x64xf32, #tpu.memory_space<vmem>>) offsets(%dma_start3A_38 : memref<128xi32, #tpu.memory_space<vmem>>) semaphore(%arg10 : memref<!tpu.dma_semaphore, #tpu.memory_space<semaphore_mem>>)
    %dma_start3A_42 = arith.constant 4 : i32
    %dma_start3A_43 = arith.constant 0 : i32
    %dma_start3A_44 = arith.constant 0 : i32
    %dma_start3A_45 = tpu.memref_slice %arg6[%dma_start3A_42, %dma_start3A_43, %dma_start3A_44] : memref<8x128x64xf32, #tpu.memory_space<vmem>> -> memref<1x128x64xf32, #tpu.memory_space<vmem>>
    %dma_start3A_46 = tpu.memref_squeeze %dma_start3A_45 : memref<1x128x64xf32, #tpu.memory_space<vmem>> -> memref<128x64xf32, #tpu.memory_space<vmem>>
    %dma_start3A_47 = arith.constant 512 : i32
    %dma_start3A_48 = tpu.memref_slice %arg5[%dma_start3A_47] : memref<8192xi32, #tpu.memory_space<vmem>> -> memref<128xi32, #tpu.memory_space<vmem>>
    %dma_start3A_49 = arith.constant 0 : i32
    %dma_start3A_50 = arith.constant 0 : i32
    %dma_start3A_51 = tpu.memref_slice %arg3[%dma_start3A_49, %dma_start3A_50] : memref<100000x64xf32, #tpu.memory_space<hbm>> -> memref<100000x64xf32, #tpu.memory_space<hbm>>
    tpu.enqueue_indirect_dma source(%dma_start3A_51 : memref<100000x64xf32, #tpu.memory_space<hbm>>) target(%dma_start3A_46 : memref<128x64xf32, #tpu.memory_space<vmem>>) offsets(%dma_start3A_48 : memref<128xi32, #tpu.memory_space<vmem>>) semaphore(%arg11 : memref<!tpu.dma_semaphore, #tpu.memory_space<semaphore_mem>>)
    %dma_start3A_52 = arith.constant 5 : i32
    %dma_start3A_53 = arith.constant 0 : i32
    %dma_start3A_54 = arith.constant 0 : i32
    %dma_start3A_55 = tpu.memref_slice %arg6[%dma_start3A_52, %dma_start3A_53, %dma_start3A_54] : memref<8x128x64xf32, #tpu.memory_space<vmem>> -> memref<1x128x64xf32, #tpu.memory_space<vmem>>
    %dma_start3A_56 = tpu.memref_squeeze %dma_start3A_55 : memref<1x128x64xf32, #tpu.memory_space<vmem>> -> memref<128x64xf32, #tpu.memory_space<vmem>>
    %dma_start3A_57 = arith.constant 640 : i32
    %dma_start3A_58 = tpu.memref_slice %arg5[%dma_start3A_57] : memref<8192xi32, #tpu.memory_space<vmem>> -> memref<128xi32, #tpu.memory_space<vmem>>
    %dma_start3A_59 = arith.constant 0 : i32
    %dma_start3A_60 = arith.constant 0 : i32
    %dma_start3A_61 = tpu.memref_slice %arg3[%dma_start3A_59, %dma_start3A_60] : memref<100000x64xf32, #tpu.memory_space<hbm>> -> memref<100000x64xf32, #tpu.memory_space<hbm>>
    tpu.enqueue_indirect_dma source(%dma_start3A_61 : memref<100000x64xf32, #tpu.memory_space<hbm>>) target(%dma_start3A_56 : memref<128x64xf32, #tpu.memory_space<vmem>>) offsets(%dma_start3A_58 : memref<128xi32, #tpu.memory_space<vmem>>) semaphore(%arg12 : memref<!tpu.dma_semaphore, #tpu.memory_space<semaphore_mem>>)
    %dma_start3A_62 = arith.constant 6 : i32
    %dma_start3A_63 = arith.constant 0 : i32
    %dma_start3A_64 = arith.constant 0 : i32
    %dma_start3A_65 = tpu.memref_slice %arg6[%dma_start3A_62, %dma_start3A_63, %dma_start3A_64] : memref<8x128x64xf32, #tpu.memory_space<vmem>> -> memref<1x128x64xf32, #tpu.memory_space<vmem>>
    %dma_start3A_66 = tpu.memref_squeeze %dma_start3A_65 : memref<1x128x64xf32, #tpu.memory_space<vmem>> -> memref<128x64xf32, #tpu.memory_space<vmem>>
    %dma_start3A_67 = arith.constant 768 : i32
    %dma_start3A_68 = tpu.memref_slice %arg5[%dma_start3A_67] : memref<8192xi32, #tpu.memory_space<vmem>> -> memref<128xi32, #tpu.memory_space<vmem>>
    %dma_start3A_69 = arith.constant 0 : i32
    %dma_start3A_70 = arith.constant 0 : i32
    %dma_start3A_71 = tpu.memref_slice %arg3[%dma_start3A_69, %dma_start3A_70] : memref<100000x64xf32, #tpu.memory_space<hbm>> -> memref<100000x64xf32, #tpu.memory_space<hbm>>
    tpu.enqueue_indirect_dma source(%dma_start3A_71 : memref<100000x64xf32, #tpu.memory_space<hbm>>) target(%dma_start3A_66 : memref<128x64xf32, #tpu.memory_space<vmem>>) offsets(%dma_start3A_68 : memref<128xi32, #tpu.memory_space<vmem>>) semaphore(%arg13 : memref<!tpu.dma_semaphore, #tpu.memory_space<semaphore_mem>>)
    %dma_start3A_72 = arith.constant 7 : i32
    %dma_start3A_73 = arith.constant 0 : i32
    %dma_start3A_74 = arith.constant 0 : i32
    %dma_start3A_75 = tpu.memref_slice %arg6[%dma_start3A_72, %dma_start3A_73, %dma_start3A_74] : memref<8x128x64xf32, #tpu.memory_space<vmem>> -> memref<1x128x64xf32, #tpu.memory_space<vmem>>
    %dma_start3A_76 = tpu.memref_squeeze %dma_start3A_75 : memref<1x128x64xf32, #tpu.memory_space<vmem>> -> memref<128x64xf32, #tpu.memory_space<vmem>>
    %dma_start3A_77 = arith.constant 896 : i32
    %dma_start3A_78 = tpu.memref_slice %arg5[%dma_start3A_77] : memref<8192xi32, #tpu.memory_space<vmem>> -> memref<128xi32, #tpu.memory_space<vmem>>
    %dma_start3A_79 = arith.constant 0 : i32
    %dma_start3A_80 = arith.constant 0 : i32
    %dma_start3A_81 = tpu.memref_slice %arg3[%dma_start3A_79, %dma_start3A_80] : memref<100000x64xf32, #tpu.memory_space<hbm>> -> memref<100000x64xf32, #tpu.memory_space<hbm>>
    tpu.enqueue_indirect_dma source(%dma_start3A_81 : memref<100000x64xf32, #tpu.memory_space<hbm>>) target(%dma_start3A_76 : memref<128x64xf32, #tpu.memory_space<vmem>>) offsets(%dma_start3A_78 : memref<128xi32, #tpu.memory_space<vmem>>) semaphore(%arg14 : memref<!tpu.dma_semaphore, #tpu.memory_space<semaphore_mem>>)
    %scan3A = arith.constant 0 : i32
    %scan3A_82 = arith.constant 1 : i32
    %scan3A_83 = arith.constant 7 : i32
    %scan3A_84 = arith.addi %scan3A_82, %scan3A_83 : i32
    %scan3A_85 = arith.constant 1 : i32
    %scan3A_86 = scf.for %scan3A_407 = %scan3A_82 to %scan3A_84 step %scan3A_85 iter_args(%scan3A_408 = %scan3A) -> (i32)  : i32 {
      %sub3A = arith.constant 1 : i32
      %sub3A_409 = arith.subi %scan3A_407, %sub3A : i32
      %mul3A_410 = arith.constant 8 : i32
      %mul3A_411 = arith.muli %sub3A_409, %mul3A_410 : i32
      %add3A_412 = arith.constant 0 : i32
      %add3A_413 = arith.addi %mul3A_411, %add3A_412 : i32
      %mul3A_414 = arith.constant 128 : i32
      %mul3A_415 = arith.muli %add3A_413, %mul3A_414 : i32
      %dma_wait3A_416 = arith.constant 0 : i32
      %dma_wait3A_417 = arith.constant 0 : i32
      %dma_wait3A_418 = arith.constant 0 : i32
      %dma_wait3A_419 = tpu.memref_slice %arg6[%dma_wait3A_416, %dma_wait3A_417, %dma_wait3A_418] : memref<8x128x64xf32, #tpu.memory_space<vmem>> -> memref<1x128x64xf32, #tpu.memory_space<vmem>>
      %dma_wait3A_420 = tpu.memref_squeeze %dma_wait3A_419 : memref<1x128x64xf32, #tpu.memory_space<vmem>> -> memref<128x64xf32, #tpu.memory_space<vmem>>
      %dma_wait3A_421 = tpu.memref_slice %arg5[%mul3A_415] : memref<8192xi32, #tpu.memory_space<vmem>> -> memref<128xi32, #tpu.memory_space<vmem>>
      %dma_wait3A_422 = arith.constant 0 : i32
      %dma_wait3A_423 = arith.constant 0 : i32
      %dma_wait3A_424 = tpu.memref_slice %arg3[%dma_wait3A_422, %dma_wait3A_423] : memref<100000x64xf32, #tpu.memory_space<hbm>> -> memref<100000x64xf32, #tpu.memory_space<hbm>>
      tpu.wait_indirect_dma semaphore(%arg7 : memref<!tpu.dma_semaphore, #tpu.memory_space<semaphore_mem>>) src(%dma_wait3A_424 : memref<100000x64xf32, #tpu.memory_space<hbm>>) dst(%dma_wait3A_420 : memref<128x64xf32, #tpu.memory_space<vmem>>)
      %mul3A_425 = arith.constant 128 : i32
      %mul3A_426 = arith.muli %add3A_413, %mul3A_425 : i32
      %add3A_427 = arith.addi %mul3A_2, %mul3A_426 : i32
      %dma_start3A_428 = arith.constant 0 : i32
      %dma_start3A_429 = arith.constant 0 : i32
      %dma_start3A_430 = arith.constant 0 : i32
      %dma_start3A_431 = tpu.memref_slice %arg6[%dma_start3A_428, %dma_start3A_429, %dma_start3A_430] : memref<8x128x64xf32, #tpu.memory_space<vmem>> -> memref<1x128x64xf32, #tpu.memory_space<vmem>>
      %dma_start3A_432 = tpu.memref_squeeze %dma_start3A_431 : memref<1x128x64xf32, #tpu.memory_space<vmem>> -> memref<128x64xf32, #tpu.memory_space<vmem>>
      %dma_start3A_433 = arith.constant 0 : i32
      %dma_start3A_434 = tpu.memref_slice %arg4[%add3A_427, %dma_start3A_433] : memref<262144x64xf32, #tpu.memory_space<hbm>> -> memref<128x64xf32, #tpu.memory_space<hbm>>
      %dma_start3A_435 = arith.constant 0 : i32
      %dma_start3A_436 = tpu.memref_slice %arg4[%add3A_427, %dma_start3A_435] : memref<262144x64xf32, #tpu.memory_space<hbm>> -> memref<128x64xf32, #tpu.memory_space<hbm>>
      %dma_start3A_437 = arith.constant 0 : i32
      %dma_start3A_438 = arith.constant 0 : i32
      %dma_start3A_439 = tpu.memref_slice %arg6[%dma_start3A_428, %dma_start3A_437, %dma_start3A_438] : memref<8x128x64xf32, #tpu.memory_space<vmem>> -> memref<1x128x64xf32, #tpu.memory_space<vmem>>
      %dma_start3A_440 = tpu.memref_squeeze %dma_start3A_439 : memref<1x128x64xf32, #tpu.memory_space<vmem>> -> memref<128x64xf32, #tpu.memory_space<vmem>>
      tpu.enqueue_dma source(%dma_start3A_440 : memref<128x64xf32, #tpu.memory_space<vmem>>) target(%dma_start3A_436 : memref<128x64xf32, #tpu.memory_space<hbm>>) target_semaphore(%arg15 : memref<!tpu.dma_semaphore, #tpu.memory_space<semaphore_mem>>)
      %sub3A_441 = arith.constant 1 : i32
      %sub3A_442 = arith.subi %scan3A_407, %sub3A_441 : i32
      %mul3A_443 = arith.constant 8 : i32
      %mul3A_444 = arith.muli %sub3A_442, %mul3A_443 : i32
      %add3A_445 = arith.constant 1 : i32
      %add3A_446 = arith.addi %mul3A_444, %add3A_445 : i32
      %mul3A_447 = arith.constant 128 : i32
      %mul3A_448 = arith.muli %add3A_446, %mul3A_447 : i32
      %dma_wait3A_449 = arith.constant 1 : i32
      %dma_wait3A_450 = arith.constant 0 : i32
      %dma_wait3A_451 = arith.constant 0 : i32
      %dma_wait3A_452 = tpu.memref_slice %arg6[%dma_wait3A_449, %dma_wait3A_450, %dma_wait3A_451] : memref<8x128x64xf32, #tpu.memory_space<vmem>> -> memref<1x128x64xf32, #tpu.memory_space<vmem>>
      %dma_wait3A_453 = tpu.memref_squeeze %dma_wait3A_452 : memref<1x128x64xf32, #tpu.memory_space<vmem>> -> memref<128x64xf32, #tpu.memory_space<vmem>>
      %dma_wait3A_454 = tpu.memref_slice %arg5[%mul3A_448] : memref<8192xi32, #tpu.memory_space<vmem>> -> memref<128xi32, #tpu.memory_space<vmem>>
      %dma_wait3A_455 = arith.constant 0 : i32
      %dma_wait3A_456 = arith.constant 0 : i32
      %dma_wait3A_457 = tpu.memref_slice %arg3[%dma_wait3A_455, %dma_wait3A_456] : memref<100000x64xf32, #tpu.memory_space<hbm>> -> memref<100000x64xf32, #tpu.memory_space<hbm>>
      tpu.wait_indirect_dma semaphore(%arg8 : memref<!tpu.dma_semaphore, #tpu.memory_space<semaphore_mem>>) src(%dma_wait3A_457 : memref<100000x64xf32, #tpu.memory_space<hbm>>) dst(%dma_wait3A_453 : memref<128x64xf32, #tpu.memory_space<vmem>>)
      %mul3A_458 = arith.constant 128 : i32
      %mul3A_459 = arith.muli %add3A_446, %mul3A_458 : i32
      %add3A_460 = arith.addi %mul3A_2, %mul3A_459 : i32
      %dma_start3A_461 = arith.constant 1 : i32
      %dma_start3A_462 = arith.constant 0 : i32
      %dma_start3A_463 = arith.constant 0 : i32
      %dma_start3A_464 = tpu.memref_slice %arg6[%dma_start3A_461, %dma_start3A_462, %dma_start3A_463] : memref<8x128x64xf32, #tpu.memory_space<vmem>> -> memref<1x128x64xf32, #tpu.memory_space<vmem>>
      %dma_start3A_465 = tpu.memref_squeeze %dma_start3A_464 : memref<1x128x64xf32, #tpu.memory_space<vmem>> -> memref<128x64xf32, #tpu.memory_space<vmem>>
      %dma_start3A_466 = arith.constant 0 : i32
      %dma_start3A_467 = tpu.memref_slice %arg4[%add3A_460, %dma_start3A_466] : memref<262144x64xf32, #tpu.memory_space<hbm>> -> memref<128x64xf32, #tpu.memory_space<hbm>>
      %dma_start3A_468 = arith.constant 0 : i32
      %dma_start3A_469 = tpu.memref_slice %arg4[%add3A_460, %dma_start3A_468] : memref<262144x64xf32, #tpu.memory_space<hbm>> -> memref<128x64xf32, #tpu.memory_space<hbm>>
      %dma_start3A_470 = arith.constant 0 : i32
      %dma_start3A_471 = arith.constant 0 : i32
      %dma_start3A_472 = tpu.memref_slice %arg6[%dma_start3A_461, %dma_start3A_470, %dma_start3A_471] : memref<8x128x64xf32, #tpu.memory_space<vmem>> -> memref<1x128x64xf32, #tpu.memory_space<vmem>>
      %dma_start3A_473 = tpu.memref_squeeze %dma_start3A_472 : memref<1x128x64xf32, #tpu.memory_space<vmem>> -> memref<128x64xf32, #tpu.memory_space<vmem>>
      tpu.enqueue_dma source(%dma_start3A_473 : memref<128x64xf32, #tpu.memory_space<vmem>>) target(%dma_start3A_469 : memref<128x64xf32, #tpu.memory_space<hbm>>) target_semaphore(%arg16 : memref<!tpu.dma_semaphore, #tpu.memory_space<semaphore_mem>>)
      %sub3A_474 = arith.constant 1 : i32
      %sub3A_475 = arith.subi %scan3A_407, %sub3A_474 : i32
      %mul3A_476 = arith.constant 8 : i32
      %mul3A_477 = arith.muli %sub3A_475, %mul3A_476 : i32
      %add3A_478 = arith.constant 2 : i32
      %add3A_479 = arith.addi %mul3A_477, %add3A_478 : i32
      %mul3A_480 = arith.constant 128 : i32
      %mul3A_481 = arith.muli %add3A_479, %mul3A_480 : i32
      %dma_wait3A_482 = arith.constant 2 : i32
      %dma_wait3A_483 = arith.constant 0 : i32
      %dma_wait3A_484 = arith.constant 0 : i32
      %dma_wait3A_485 = tpu.memref_slice %arg6[%dma_wait3A_482, %dma_wait3A_483, %dma_wait3A_484] : memref<8x128x64xf32, #tpu.memory_space<vmem>> -> memref<1x128x64xf32, #tpu.memory_space<vmem>>
      %dma_wait3A_486 = tpu.memref_squeeze %dma_wait3A_485 : memref<1x128x64xf32, #tpu.memory_space<vmem>> -> memref<128x64xf32, #tpu.memory_space<vmem>>
      %dma_wait3A_487 = tpu.memref_slice %arg5[%mul3A_481] : memref<8192xi32, #tpu.memory_space<vmem>> -> memref<128xi32, #tpu.memory_space<vmem>>
      %dma_wait3A_488 = arith.constant 0 : i32
      %dma_wait3A_489 = arith.constant 0 : i32
      %dma_wait3A_490 = tpu.memref_slice %arg3[%dma_wait3A_488, %dma_wait3A_489] : memref<100000x64xf32, #tpu.memory_space<hbm>> -> memref<100000x64xf32, #tpu.memory_space<hbm>>
      tpu.wait_indirect_dma semaphore(%arg9 : memref<!tpu.dma_semaphore, #tpu.memory_space<semaphore_mem>>) src(%dma_wait3A_490 : memref<100000x64xf32, #tpu.memory_space<hbm>>) dst(%dma_wait3A_486 : memref<128x64xf32, #tpu.memory_space<vmem>>)
      %mul3A_491 = arith.constant 128 : i32
      %mul3A_492 = arith.muli %add3A_479, %mul3A_491 : i32
      %add3A_493 = arith.addi %mul3A_2, %mul3A_492 : i32
      %dma_start3A_494 = arith.constant 2 : i32
      %dma_start3A_495 = arith.constant 0 : i32
      %dma_start3A_496 = arith.constant 0 : i32
      %dma_start3A_497 = tpu.memref_slice %arg6[%dma_start3A_494, %dma_start3A_495, %dma_start3A_496] : memref<8x128x64xf32, #tpu.memory_space<vmem>> -> memref<1x128x64xf32, #tpu.memory_space<vmem>>
      %dma_start3A_498 = tpu.memref_squeeze %dma_start3A_497 : memref<1x128x64xf32, #tpu.memory_space<vmem>> -> memref<128x64xf32, #tpu.memory_space<vmem>>
      %dma_start3A_499 = arith.constant 0 : i32
      %dma_start3A_500 = tpu.memref_slice %arg4[%add3A_493, %dma_start3A_499] : memref<262144x64xf32, #tpu.memory_space<hbm>> -> memref<128x64xf32, #tpu.memory_space<hbm>>
      %dma_start3A_501 = arith.constant 0 : i32
      %dma_start3A_502 = tpu.memref_slice %arg4[%add3A_493, %dma_start3A_501] : memref<262144x64xf32, #tpu.memory_space<hbm>> -> memref<128x64xf32, #tpu.memory_space<hbm>>
      %dma_start3A_503 = arith.constant 0 : i32
      %dma_start3A_504 = arith.constant 0 : i32
      %dma_start3A_505 = tpu.memref_slice %arg6[%dma_start3A_494, %dma_start3A_503, %dma_start3A_504] : memref<8x128x64xf32, #tpu.memory_space<vmem>> -> memref<1x128x64xf32, #tpu.memory_space<vmem>>
      %dma_start3A_506 = tpu.memref_squeeze %dma_start3A_505 : memref<1x128x64xf32, #tpu.memory_space<vmem>> -> memref<128x64xf32, #tpu.memory_space<vmem>>
      tpu.enqueue_dma source(%dma_start3A_506 : memref<128x64xf32, #tpu.memory_space<vmem>>) target(%dma_start3A_502 : memref<128x64xf32, #tpu.memory_space<hbm>>) target_semaphore(%arg17 : memref<!tpu.dma_semaphore, #tpu.memory_space<semaphore_mem>>)
      %sub3A_507 = arith.constant 1 : i32
      %sub3A_508 = arith.subi %scan3A_407, %sub3A_507 : i32
      %mul3A_509 = arith.constant 8 : i32
      %mul3A_510 = arith.muli %sub3A_508, %mul3A_509 : i32
      %add3A_511 = arith.constant 3 : i32
      %add3A_512 = arith.addi %mul3A_510, %add3A_511 : i32
      %mul3A_513 = arith.constant 128 : i32
      %mul3A_514 = arith.muli %add3A_512, %mul3A_513 : i32
      %dma_wait3A_515 = arith.constant 3 : i32
      %dma_wait3A_516 = arith.constant 0 : i32
      %dma_wait3A_517 = arith.constant 0 : i32
      %dma_wait3A_518 = tpu.memref_slice %arg6[%dma_wait3A_515, %dma_wait3A_516, %dma_wait3A_517] : memref<8x128x64xf32, #tpu.memory_space<vmem>> -> memref<1x128x64xf32, #tpu.memory_space<vmem>>
      %dma_wait3A_519 = tpu.memref_squeeze %dma_wait3A_518 : memref<1x128x64xf32, #tpu.memory_space<vmem>> -> memref<128x64xf32, #tpu.memory_space<vmem>>
      %dma_wait3A_520 = tpu.memref_slice %arg5[%mul3A_514] : memref<8192xi32, #tpu.memory_space<vmem>> -> memref<128xi32, #tpu.memory_space<vmem>>
      %dma_wait3A_521 = arith.constant 0 : i32
      %dma_wait3A_522 = arith.constant 0 : i32
      %dma_wait3A_523 = tpu.memref_slice %arg3[%dma_wait3A_521, %dma_wait3A_522] : memref<100000x64xf32, #tpu.memory_space<hbm>> -> memref<100000x64xf32, #tpu.memory_space<hbm>>
      tpu.wait_indirect_dma semaphore(%arg10 : memref<!tpu.dma_semaphore, #tpu.memory_space<semaphore_mem>>) src(%dma_wait3A_523 : memref<100000x64xf32, #tpu.memory_space<hbm>>) dst(%dma_wait3A_519 : memref<128x64xf32, #tpu.memory_space<vmem>>)
      %mul3A_524 = arith.constant 128 : i32
      %mul3A_525 = arith.muli %add3A_512, %mul3A_524 : i32
      %add3A_526 = arith.addi %mul3A_2, %mul3A_525 : i32
      %dma_start3A_527 = arith.constant 3 : i32
      %dma_start3A_528 = arith.constant 0 : i32
      %dma_start3A_529 = arith.constant 0 : i32
      %dma_start3A_530 = tpu.memref_slice %arg6[%dma_start3A_527, %dma_start3A_528, %dma_start3A_529] : memref<8x128x64xf32, #tpu.memory_space<vmem>> -> memref<1x128x64xf32, #tpu.memory_space<vmem>>
      %dma_start3A_531 = tpu.memref_squeeze %dma_start3A_530 : memref<1x128x64xf32, #tpu.memory_space<vmem>> -> memref<128x64xf32, #tpu.memory_space<vmem>>
      %dma_start3A_532 = arith.constant 0 : i32
      %dma_start3A_533 = tpu.memref_slice %arg4[%add3A_526, %dma_start3A_532] : memref<262144x64xf32, #tpu.memory_space<hbm>> -> memref<128x64xf32, #tpu.memory_space<hbm>>
      %dma_start3A_534 = arith.constant 0 : i32
      %dma_start3A_535 = tpu.memref_slice %arg4[%add3A_526, %dma_start3A_534] : memref<262144x64xf32, #tpu.memory_space<hbm>> -> memref<128x64xf32, #tpu.memory_space<hbm>>
      %dma_start3A_536 = arith.constant 0 : i32
      %dma_start3A_537 = arith.constant 0 : i32
      %dma_start3A_538 = tpu.memref_slice %arg6[%dma_start3A_527, %dma_start3A_536, %dma_start3A_537] : memref<8x128x64xf32, #tpu.memory_space<vmem>> -> memref<1x128x64xf32, #tpu.memory_space<vmem>>
      %dma_start3A_539 = tpu.memref_squeeze %dma_start3A_538 : memref<1x128x64xf32, #tpu.memory_space<vmem>> -> memref<128x64xf32, #tpu.memory_space<vmem>>
      tpu.enqueue_dma source(%dma_start3A_539 : memref<128x64xf32, #tpu.memory_space<vmem>>) target(%dma_start3A_535 : memref<128x64xf32, #tpu.memory_space<hbm>>) target_semaphore(%arg18 : memref<!tpu.dma_semaphore, #tpu.memory_space<semaphore_mem>>)
      %sub3A_540 = arith.constant 1 : i32
      %sub3A_541 = arith.subi %scan3A_407, %sub3A_540 : i32
      %mul3A_542 = arith.constant 8 : i32
      %mul3A_543 = arith.muli %sub3A_541, %mul3A_542 : i32
      %add3A_544 = arith.constant 4 : i32
      %add3A_545 = arith.addi %mul3A_543, %add3A_544 : i32
      %mul3A_546 = arith.constant 128 : i32
      %mul3A_547 = arith.muli %add3A_545, %mul3A_546 : i32
      %dma_wait3A_548 = arith.constant 4 : i32
      %dma_wait3A_549 = arith.constant 0 : i32
      %dma_wait3A_550 = arith.constant 0 : i32
      %dma_wait3A_551 = tpu.memref_slice %arg6[%dma_wait3A_548, %dma_wait3A_549, %dma_wait3A_550] : memref<8x128x64xf32, #tpu.memory_space<vmem>> -> memref<1x128x64xf32, #tpu.memory_space<vmem>>
      %dma_wait3A_552 = tpu.memref_squeeze %dma_wait3A_551 : memref<1x128x64xf32, #tpu.memory_space<vmem>> -> memref<128x64xf32, #tpu.memory_space<vmem>>
      %dma_wait3A_553 = tpu.memref_slice %arg5[%mul3A_547] : memref<8192xi32, #tpu.memory_space<vmem>> -> memref<128xi32, #tpu.memory_space<vmem>>
      %dma_wait3A_554 = arith.constant 0 : i32
      %dma_wait3A_555 = arith.constant 0 : i32
      %dma_wait3A_556 = tpu.memref_slice %arg3[%dma_wait3A_554, %dma_wait3A_555] : memref<100000x64xf32, #tpu.memory_space<hbm>> -> memref<100000x64xf32, #tpu.memory_space<hbm>>
      tpu.wait_indirect_dma semaphore(%arg11 : memref<!tpu.dma_semaphore, #tpu.memory_space<semaphore_mem>>) src(%dma_wait3A_556 : memref<100000x64xf32, #tpu.memory_space<hbm>>) dst(%dma_wait3A_552 : memref<128x64xf32, #tpu.memory_space<vmem>>)
      %mul3A_557 = arith.constant 128 : i32
      %mul3A_558 = arith.muli %add3A_545, %mul3A_557 : i32
      %add3A_559 = arith.addi %mul3A_2, %mul3A_558 : i32
      %dma_start3A_560 = arith.constant 4 : i32
      %dma_start3A_561 = arith.constant 0 : i32
      %dma_start3A_562 = arith.constant 0 : i32
      %dma_start3A_563 = tpu.memref_slice %arg6[%dma_start3A_560, %dma_start3A_561, %dma_start3A_562] : memref<8x128x64xf32, #tpu.memory_space<vmem>> -> memref<1x128x64xf32, #tpu.memory_space<vmem>>
      %dma_start3A_564 = tpu.memref_squeeze %dma_start3A_563 : memref<1x128x64xf32, #tpu.memory_space<vmem>> -> memref<128x64xf32, #tpu.memory_space<vmem>>
      %dma_start3A_565 = arith.constant 0 : i32
      %dma_start3A_566 = tpu.memref_slice %arg4[%add3A_559, %dma_start3A_565] : memref<262144x64xf32, #tpu.memory_space<hbm>> -> memref<128x64xf32, #tpu.memory_space<hbm>>
      %dma_start3A_567 = arith.constant 0 : i32
      %dma_start3A_568 = tpu.memref_slice %arg4[%add3A_559, %dma_start3A_567] : memref<262144x64xf32, #tpu.memory_space<hbm>> -> memref<128x64xf32, #tpu.memory_space<hbm>>
      %dma_start3A_569 = arith.constant 0 : i32
      %dma_start3A_570 = arith.constant 0 : i32
      %dma_start3A_571 = tpu.memref_slice %arg6[%dma_start3A_560, %dma_start3A_569, %dma_start3A_570] : memref<8x128x64xf32, #tpu.memory_space<vmem>> -> memref<1x128x64xf32, #tpu.memory_space<vmem>>
      %dma_start3A_572 = tpu.memref_squeeze %dma_start3A_571 : memref<1x128x64xf32, #tpu.memory_space<vmem>> -> memref<128x64xf32, #tpu.memory_space<vmem>>
      tpu.enqueue_dma source(%dma_start3A_572 : memref<128x64xf32, #tpu.memory_space<vmem>>) target(%dma_start3A_568 : memref<128x64xf32, #tpu.memory_space<hbm>>) target_semaphore(%arg19 : memref<!tpu.dma_semaphore, #tpu.memory_space<semaphore_mem>>)
      %sub3A_573 = arith.constant 1 : i32
      %sub3A_574 = arith.subi %scan3A_407, %sub3A_573 : i32
      %mul3A_575 = arith.constant 8 : i32
      %mul3A_576 = arith.muli %sub3A_574, %mul3A_575 : i32
      %add3A_577 = arith.constant 5 : i32
      %add3A_578 = arith.addi %mul3A_576, %add3A_577 : i32
      %mul3A_579 = arith.constant 128 : i32
      %mul3A_580 = arith.muli %add3A_578, %mul3A_579 : i32
      %dma_wait3A_581 = arith.constant 5 : i32
      %dma_wait3A_582 = arith.constant 0 : i32
      %dma_wait3A_583 = arith.constant 0 : i32
      %dma_wait3A_584 = tpu.memref_slice %arg6[%dma_wait3A_581, %dma_wait3A_582, %dma_wait3A_583] : memref<8x128x64xf32, #tpu.memory_space<vmem>> -> memref<1x128x64xf32, #tpu.memory_space<vmem>>
      %dma_wait3A_585 = tpu.memref_squeeze %dma_wait3A_584 : memref<1x128x64xf32, #tpu.memory_space<vmem>> -> memref<128x64xf32, #tpu.memory_space<vmem>>
      %dma_wait3A_586 = tpu.memref_slice %arg5[%mul3A_580] : memref<8192xi32, #tpu.memory_space<vmem>> -> memref<128xi32, #tpu.memory_space<vmem>>
      %dma_wait3A_587 = arith.constant 0 : i32
      %dma_wait3A_588 = arith.constant 0 : i32
      %dma_wait3A_589 = tpu.memref_slice %arg3[%dma_wait3A_587, %dma_wait3A_588] : memref<100000x64xf32, #tpu.memory_space<hbm>> -> memref<100000x64xf32, #tpu.memory_space<hbm>>
      tpu.wait_indirect_dma semaphore(%arg12 : memref<!tpu.dma_semaphore, #tpu.memory_space<semaphore_mem>>) src(%dma_wait3A_589 : memref<100000x64xf32, #tpu.memory_space<hbm>>) dst(%dma_wait3A_585 : memref<128x64xf32, #tpu.memory_space<vmem>>)
      %mul3A_590 = arith.constant 128 : i32
      %mul3A_591 = arith.muli %add3A_578, %mul3A_590 : i32
      %add3A_592 = arith.addi %mul3A_2, %mul3A_591 : i32
      %dma_start3A_593 = arith.constant 5 : i32
      %dma_start3A_594 = arith.constant 0 : i32
      %dma_start3A_595 = arith.constant 0 : i32
      %dma_start3A_596 = tpu.memref_slice %arg6[%dma_start3A_593, %dma_start3A_594, %dma_start3A_595] : memref<8x128x64xf32, #tpu.memory_space<vmem>> -> memref<1x128x64xf32, #tpu.memory_space<vmem>>
      %dma_start3A_597 = tpu.memref_squeeze %dma_start3A_596 : memref<1x128x64xf32, #tpu.memory_space<vmem>> -> memref<128x64xf32, #tpu.memory_space<vmem>>
      %dma_start3A_598 = arith.constant 0 : i32
      %dma_start3A_599 = tpu.memref_slice %arg4[%add3A_592, %dma_start3A_598] : memref<262144x64xf32, #tpu.memory_space<hbm>> -> memref<128x64xf32, #tpu.memory_space<hbm>>
      %dma_start3A_600 = arith.constant 0 : i32
      %dma_start3A_601 = tpu.memref_slice %arg4[%add3A_592, %dma_start3A_600] : memref<262144x64xf32, #tpu.memory_space<hbm>> -> memref<128x64xf32, #tpu.memory_space<hbm>>
      %dma_start3A_602 = arith.constant 0 : i32
      %dma_start3A_603 = arith.constant 0 : i32
      %dma_start3A_604 = tpu.memref_slice %arg6[%dma_start3A_593, %dma_start3A_602, %dma_start3A_603] : memref<8x128x64xf32, #tpu.memory_space<vmem>> -> memref<1x128x64xf32, #tpu.memory_space<vmem>>
      %dma_start3A_605 = tpu.memref_squeeze %dma_start3A_604 : memref<1x128x64xf32, #tpu.memory_space<vmem>> -> memref<128x64xf32, #tpu.memory_space<vmem>>
      tpu.enqueue_dma source(%dma_start3A_605 : memref<128x64xf32, #tpu.memory_space<vmem>>) target(%dma_start3A_601 : memref<128x64xf32, #tpu.memory_space<hbm>>) target_semaphore(%arg20 : memref<!tpu.dma_semaphore, #tpu.memory_space<semaphore_mem>>)
      %sub3A_606 = arith.constant 1 : i32
      %sub3A_607 = arith.subi %scan3A_407, %sub3A_606 : i32
      %mul3A_608 = arith.constant 8 : i32
      %mul3A_609 = arith.muli %sub3A_607, %mul3A_608 : i32
      %add3A_610 = arith.constant 6 : i32
      %add3A_611 = arith.addi %mul3A_609, %add3A_610 : i32
      %mul3A_612 = arith.constant 128 : i32
      %mul3A_613 = arith.muli %add3A_611, %mul3A_612 : i32
      %dma_wait3A_614 = arith.constant 6 : i32
      %dma_wait3A_615 = arith.constant 0 : i32
      %dma_wait3A_616 = arith.constant 0 : i32
      %dma_wait3A_617 = tpu.memref_slice %arg6[%dma_wait3A_614, %dma_wait3A_615, %dma_wait3A_616] : memref<8x128x64xf32, #tpu.memory_space<vmem>> -> memref<1x128x64xf32, #tpu.memory_space<vmem>>
      %dma_wait3A_618 = tpu.memref_squeeze %dma_wait3A_617 : memref<1x128x64xf32, #tpu.memory_space<vmem>> -> memref<128x64xf32, #tpu.memory_space<vmem>>
      %dma_wait3A_619 = tpu.memref_slice %arg5[%mul3A_613] : memref<8192xi32, #tpu.memory_space<vmem>> -> memref<128xi32, #tpu.memory_space<vmem>>
      %dma_wait3A_620 = arith.constant 0 : i32
      %dma_wait3A_621 = arith.constant 0 : i32
      %dma_wait3A_622 = tpu.memref_slice %arg3[%dma_wait3A_620, %dma_wait3A_621] : memref<100000x64xf32, #tpu.memory_space<hbm>> -> memref<100000x64xf32, #tpu.memory_space<hbm>>
      tpu.wait_indirect_dma semaphore(%arg13 : memref<!tpu.dma_semaphore, #tpu.memory_space<semaphore_mem>>) src(%dma_wait3A_622 : memref<100000x64xf32, #tpu.memory_space<hbm>>) dst(%dma_wait3A_618 : memref<128x64xf32, #tpu.memory_space<vmem>>)
      %mul3A_623 = arith.constant 128 : i32
      %mul3A_624 = arith.muli %add3A_611, %mul3A_623 : i32
      %add3A_625 = arith.addi %mul3A_2, %mul3A_624 : i32
      %dma_start3A_626 = arith.constant 6 : i32
      %dma_start3A_627 = arith.constant 0 : i32
      %dma_start3A_628 = arith.constant 0 : i32
      %dma_start3A_629 = tpu.memref_slice %arg6[%dma_start3A_626, %dma_start3A_627, %dma_start3A_628] : memref<8x128x64xf32, #tpu.memory_space<vmem>> -> memref<1x128x64xf32, #tpu.memory_space<vmem>>
      %dma_start3A_630 = tpu.memref_squeeze %dma_start3A_629 : memref<1x128x64xf32, #tpu.memory_space<vmem>> -> memref<128x64xf32, #tpu.memory_space<vmem>>
      %dma_start3A_631 = arith.constant 0 : i32
      %dma_start3A_632 = tpu.memref_slice %arg4[%add3A_625, %dma_start3A_631] : memref<262144x64xf32, #tpu.memory_space<hbm>> -> memref<128x64xf32, #tpu.memory_space<hbm>>
      %dma_start3A_633 = arith.constant 0 : i32
      %dma_start3A_634 = tpu.memref_slice %arg4[%add3A_625, %dma_start3A_633] : memref<262144x64xf32, #tpu.memory_space<hbm>> -> memref<128x64xf32, #tpu.memory_space<hbm>>
      %dma_start3A_635 = arith.constant 0 : i32
      %dma_start3A_636 = arith.constant 0 : i32
      %dma_start3A_637 = tpu.memref_slice %arg6[%dma_start3A_626, %dma_start3A_635, %dma_start3A_636] : memref<8x128x64xf32, #tpu.memory_space<vmem>> -> memref<1x128x64xf32, #tpu.memory_space<vmem>>
      %dma_start3A_638 = tpu.memref_squeeze %dma_start3A_637 : memref<1x128x64xf32, #tpu.memory_space<vmem>> -> memref<128x64xf32, #tpu.memory_space<vmem>>
      tpu.enqueue_dma source(%dma_start3A_638 : memref<128x64xf32, #tpu.memory_space<vmem>>) target(%dma_start3A_634 : memref<128x64xf32, #tpu.memory_space<hbm>>) target_semaphore(%arg21 : memref<!tpu.dma_semaphore, #tpu.memory_space<semaphore_mem>>)
      %sub3A_639 = arith.constant 1 : i32
      %sub3A_640 = arith.subi %scan3A_407, %sub3A_639 : i32
      %mul3A_641 = arith.constant 8 : i32
      %mul3A_642 = arith.muli %sub3A_640, %mul3A_641 : i32
      %add3A_643 = arith.constant 7 : i32
      %add3A_644 = arith.addi %mul3A_642, %add3A_643 : i32
      %mul3A_645 = arith.constant 128 : i32
      %mul3A_646 = arith.muli %add3A_644, %mul3A_645 : i32
      %dma_wait3A_647 = arith.constant 7 : i32
      %dma_wait3A_648 = arith.constant 0 : i32
      %dma_wait3A_649 = arith.constant 0 : i32
      %dma_wait3A_650 = tpu.memref_slice %arg6[%dma_wait3A_647, %dma_wait3A_648, %dma_wait3A_649] : memref<8x128x64xf32, #tpu.memory_space<vmem>> -> memref<1x128x64xf32, #tpu.memory_space<vmem>>
      %dma_wait3A_651 = tpu.memref_squeeze %dma_wait3A_650 : memref<1x128x64xf32, #tpu.memory_space<vmem>> -> memref<128x64xf32, #tpu.memory_space<vmem>>
      %dma_wait3A_652 = tpu.memref_slice %arg5[%mul3A_646] : memref<8192xi32, #tpu.memory_space<vmem>> -> memref<128xi32, #tpu.memory_space<vmem>>
      %dma_wait3A_653 = arith.constant 0 : i32
      %dma_wait3A_654 = arith.constant 0 : i32
      %dma_wait3A_655 = tpu.memref_slice %arg3[%dma_wait3A_653, %dma_wait3A_654] : memref<100000x64xf32, #tpu.memory_space<hbm>> -> memref<100000x64xf32, #tpu.memory_space<hbm>>
      tpu.wait_indirect_dma semaphore(%arg14 : memref<!tpu.dma_semaphore, #tpu.memory_space<semaphore_mem>>) src(%dma_wait3A_655 : memref<100000x64xf32, #tpu.memory_space<hbm>>) dst(%dma_wait3A_651 : memref<128x64xf32, #tpu.memory_space<vmem>>)
      %mul3A_656 = arith.constant 128 : i32
      %mul3A_657 = arith.muli %add3A_644, %mul3A_656 : i32
      %add3A_658 = arith.addi %mul3A_2, %mul3A_657 : i32
      %dma_start3A_659 = arith.constant 7 : i32
      %dma_start3A_660 = arith.constant 0 : i32
      %dma_start3A_661 = arith.constant 0 : i32
      %dma_start3A_662 = tpu.memref_slice %arg6[%dma_start3A_659, %dma_start3A_660, %dma_start3A_661] : memref<8x128x64xf32, #tpu.memory_space<vmem>> -> memref<1x128x64xf32, #tpu.memory_space<vmem>>
      %dma_start3A_663 = tpu.memref_squeeze %dma_start3A_662 : memref<1x128x64xf32, #tpu.memory_space<vmem>> -> memref<128x64xf32, #tpu.memory_space<vmem>>
      %dma_start3A_664 = arith.constant 0 : i32
      %dma_start3A_665 = tpu.memref_slice %arg4[%add3A_658, %dma_start3A_664] : memref<262144x64xf32, #tpu.memory_space<hbm>> -> memref<128x64xf32, #tpu.memory_space<hbm>>
      %dma_start3A_666 = arith.constant 0 : i32
      %dma_start3A_667 = tpu.memref_slice %arg4[%add3A_658, %dma_start3A_666] : memref<262144x64xf32, #tpu.memory_space<hbm>> -> memref<128x64xf32, #tpu.memory_space<hbm>>
      %dma_start3A_668 = arith.constant 0 : i32
      %dma_start3A_669 = arith.constant 0 : i32
      %dma_start3A_670 = tpu.memref_slice %arg6[%dma_start3A_659, %dma_start3A_668, %dma_start3A_669] : memref<8x128x64xf32, #tpu.memory_space<vmem>> -> memref<1x128x64xf32, #tpu.memory_space<vmem>>
      %dma_start3A_671 = tpu.memref_squeeze %dma_start3A_670 : memref<1x128x64xf32, #tpu.memory_space<vmem>> -> memref<128x64xf32, #tpu.memory_space<vmem>>
      tpu.enqueue_dma source(%dma_start3A_671 : memref<128x64xf32, #tpu.memory_space<vmem>>) target(%dma_start3A_667 : memref<128x64xf32, #tpu.memory_space<hbm>>) target_semaphore(%arg22 : memref<!tpu.dma_semaphore, #tpu.memory_space<semaphore_mem>>)
      %sub3A_672 = arith.constant 1 : i32
      %sub3A_673 = arith.subi %scan3A_407, %sub3A_672 : i32
      %mul3A_674 = arith.constant 8 : i32
      %mul3A_675 = arith.muli %sub3A_673, %mul3A_674 : i32
      %add3A_676 = arith.constant 0 : i32
      %add3A_677 = arith.addi %mul3A_675, %add3A_676 : i32
      %mul3A_678 = arith.constant 128 : i32
      %mul3A_679 = arith.muli %add3A_677, %mul3A_678 : i32
      %add3A_680 = arith.addi %mul3A_2, %mul3A_679 : i32
      %dma_wait3A_681 = arith.constant 0 : i32
      %dma_wait3A_682 = arith.constant 0 : i32
      %dma_wait3A_683 = arith.constant 0 : i32
      %dma_wait3A_684 = tpu.memref_slice %arg6[%dma_wait3A_681, %dma_wait3A_682, %dma_wait3A_683] : memref<8x128x64xf32, #tpu.memory_space<vmem>> -> memref<1x128x64xf32, #tpu.memory_space<vmem>>
      %dma_wait3A_685 = tpu.memref_squeeze %dma_wait3A_684 : memref<1x128x64xf32, #tpu.memory_space<vmem>> -> memref<128x64xf32, #tpu.memory_space<vmem>>
      %dma_wait3A_686 = arith.constant 0 : i32
      %dma_wait3A_687 = tpu.memref_slice %arg4[%add3A_680, %dma_wait3A_686] : memref<262144x64xf32, #tpu.memory_space<hbm>> -> memref<128x64xf32, #tpu.memory_space<hbm>>
      %dma_wait3A_688 = arith.constant 0 : i32
      %dma_wait3A_689 = tpu.memref_slice %arg4[%add3A_680, %dma_wait3A_688] : memref<262144x64xf32, #tpu.memory_space<hbm>> -> memref<128x64xf32, #tpu.memory_space<hbm>>
      %dma_wait3A_690 = arith.constant 0 : i32
      %dma_wait3A_691 = arith.constant 0 : i32
      %dma_wait3A_692 = tpu.memref_slice %arg6[%dma_wait3A_681, %dma_wait3A_690, %dma_wait3A_691] : memref<8x128x64xf32, #tpu.memory_space<vmem>> -> memref<1x128x64xf32, #tpu.memory_space<vmem>>
      %dma_wait3A_693 = tpu.memref_squeeze %dma_wait3A_692 : memref<1x128x64xf32, #tpu.memory_space<vmem>> -> memref<128x64xf32, #tpu.memory_space<vmem>>
      tpu.wait_dma2 semaphore(%arg15 : memref<!tpu.dma_semaphore, #tpu.memory_space<semaphore_mem>>) src(%dma_wait3A_693 : memref<128x64xf32, #tpu.memory_space<vmem>>) dst(%dma_wait3A_689 : memref<128x64xf32, #tpu.memory_space<hbm>>)
      %mul3A_694 = arith.constant 8 : i32
      %mul3A_695 = arith.muli %scan3A_407, %mul3A_694 : i32
      %add3A_696 = arith.constant 0 : i32
      %add3A_697 = arith.addi %mul3A_695, %add3A_696 : i32
      %mul3A_698 = arith.constant 128 : i32
      %mul3A_699 = arith.muli %add3A_697, %mul3A_698 : i32
      %dma_start3A_700 = arith.constant 0 : i32
      %dma_start3A_701 = arith.constant 0 : i32
      %dma_start3A_702 = arith.constant 0 : i32
      %dma_start3A_703 = tpu.memref_slice %arg6[%dma_start3A_700, %dma_start3A_701, %dma_start3A_702] : memref<8x128x64xf32, #tpu.memory_space<vmem>> -> memref<1x128x64xf32, #tpu.memory_space<vmem>>
      %dma_start3A_704 = tpu.memref_squeeze %dma_start3A_703 : memref<1x128x64xf32, #tpu.memory_space<vmem>> -> memref<128x64xf32, #tpu.memory_space<vmem>>
      %dma_start3A_705 = tpu.memref_slice %arg5[%mul3A_699] : memref<8192xi32, #tpu.memory_space<vmem>> -> memref<128xi32, #tpu.memory_space<vmem>>
      %dma_start3A_706 = arith.constant 0 : i32
      %dma_start3A_707 = arith.constant 0 : i32
      %dma_start3A_708 = tpu.memref_slice %arg3[%dma_start3A_706, %dma_start3A_707] : memref<100000x64xf32, #tpu.memory_space<hbm>> -> memref<100000x64xf32, #tpu.memory_space<hbm>>
      tpu.enqueue_indirect_dma source(%dma_start3A_708 : memref<100000x64xf32, #tpu.memory_space<hbm>>) target(%dma_start3A_704 : memref<128x64xf32, #tpu.memory_space<vmem>>) offsets(%dma_start3A_705 : memref<128xi32, #tpu.memory_space<vmem>>) semaphore(%arg7 : memref<!tpu.dma_semaphore, #tpu.memory_space<semaphore_mem>>)
      %sub3A_709 = arith.constant 1 : i32
      %sub3A_710 = arith.subi %scan3A_407, %sub3A_709 : i32
      %mul3A_711 = arith.constant 8 : i32
      %mul3A_712 = arith.muli %sub3A_710, %mul3A_711 : i32
      %add3A_713 = arith.constant 1 : i32
      %add3A_714 = arith.addi %mul3A_712, %add3A_713 : i32
      %mul3A_715 = arith.constant 128 : i32
      %mul3A_716 = arith.muli %add3A_714, %mul3A_715 : i32
      %add3A_717 = arith.addi %mul3A_2, %mul3A_716 : i32
      %dma_wait3A_718 = arith.constant 1 : i32
      %dma_wait3A_719 = arith.constant 0 : i32
      %dma_wait3A_720 = arith.constant 0 : i32
      %dma_wait3A_721 = tpu.memref_slice %arg6[%dma_wait3A_718, %dma_wait3A_719, %dma_wait3A_720] : memref<8x128x64xf32, #tpu.memory_space<vmem>> -> memref<1x128x64xf32, #tpu.memory_space<vmem>>
      %dma_wait3A_722 = tpu.memref_squeeze %dma_wait3A_721 : memref<1x128x64xf32, #tpu.memory_space<vmem>> -> memref<128x64xf32, #tpu.memory_space<vmem>>
      %dma_wait3A_723 = arith.constant 0 : i32
      %dma_wait3A_724 = tpu.memref_slice %arg4[%add3A_717, %dma_wait3A_723] : memref<262144x64xf32, #tpu.memory_space<hbm>> -> memref<128x64xf32, #tpu.memory_space<hbm>>
      %dma_wait3A_725 = arith.constant 0 : i32
      %dma_wait3A_726 = tpu.memref_slice %arg4[%add3A_717, %dma_wait3A_725] : memref<262144x64xf32, #tpu.memory_space<hbm>> -> memref<128x64xf32, #tpu.memory_space<hbm>>
      %dma_wait3A_727 = arith.constant 0 : i32
      %dma_wait3A_728 = arith.constant 0 : i32
      %dma_wait3A_729 = tpu.memref_slice %arg6[%dma_wait3A_718, %dma_wait3A_727, %dma_wait3A_728] : memref<8x128x64xf32, #tpu.memory_space<vmem>> -> memref<1x128x64xf32, #tpu.memory_space<vmem>>
      %dma_wait3A_730 = tpu.memref_squeeze %dma_wait3A_729 : memref<1x128x64xf32, #tpu.memory_space<vmem>> -> memref<128x64xf32, #tpu.memory_space<vmem>>
      tpu.wait_dma2 semaphore(%arg16 : memref<!tpu.dma_semaphore, #tpu.memory_space<semaphore_mem>>) src(%dma_wait3A_730 : memref<128x64xf32, #tpu.memory_space<vmem>>) dst(%dma_wait3A_726 : memref<128x64xf32, #tpu.memory_space<hbm>>)
      %mul3A_731 = arith.constant 8 : i32
      %mul3A_732 = arith.muli %scan3A_407, %mul3A_731 : i32
      %add3A_733 = arith.constant 1 : i32
      %add3A_734 = arith.addi %mul3A_732, %add3A_733 : i32
      %mul3A_735 = arith.constant 128 : i32
      %mul3A_736 = arith.muli %add3A_734, %mul3A_735 : i32
      %dma_start3A_737 = arith.constant 1 : i32
      %dma_start3A_738 = arith.constant 0 : i32
      %dma_start3A_739 = arith.constant 0 : i32
      %dma_start3A_740 = tpu.memref_slice %arg6[%dma_start3A_737, %dma_start3A_738, %dma_start3A_739] : memref<8x128x64xf32, #tpu.memory_space<vmem>> -> memref<1x128x64xf32, #tpu.memory_space<vmem>>
      %dma_start3A_741 = tpu.memref_squeeze %dma_start3A_740 : memref<1x128x64xf32, #tpu.memory_space<vmem>> -> memref<128x64xf32, #tpu.memory_space<vmem>>
      %dma_start3A_742 = tpu.memref_slice %arg5[%mul3A_736] : memref<8192xi32, #tpu.memory_space<vmem>> -> memref<128xi32, #tpu.memory_space<vmem>>
      %dma_start3A_743 = arith.constant 0 : i32
      %dma_start3A_744 = arith.constant 0 : i32
      %dma_start3A_745 = tpu.memref_slice %arg3[%dma_start3A_743, %dma_start3A_744] : memref<100000x64xf32, #tpu.memory_space<hbm>> -> memref<100000x64xf32, #tpu.memory_space<hbm>>
      tpu.enqueue_indirect_dma source(%dma_start3A_745 : memref<100000x64xf32, #tpu.memory_space<hbm>>) target(%dma_start3A_741 : memref<128x64xf32, #tpu.memory_space<vmem>>) offsets(%dma_start3A_742 : memref<128xi32, #tpu.memory_space<vmem>>) semaphore(%arg8 : memref<!tpu.dma_semaphore, #tpu.memory_space<semaphore_mem>>)
      %sub3A_746 = arith.constant 1 : i32
      %sub3A_747 = arith.subi %scan3A_407, %sub3A_746 : i32
      %mul3A_748 = arith.constant 8 : i32
      %mul3A_749 = arith.muli %sub3A_747, %mul3A_748 : i32
      %add3A_750 = arith.constant 2 : i32
      %add3A_751 = arith.addi %mul3A_749, %add3A_750 : i32
      %mul3A_752 = arith.constant 128 : i32
      %mul3A_753 = arith.muli %add3A_751, %mul3A_752 : i32
      %add3A_754 = arith.addi %mul3A_2, %mul3A_753 : i32
      %dma_wait3A_755 = arith.constant 2 : i32
      %dma_wait3A_756 = arith.constant 0 : i32
      %dma_wait3A_757 = arith.constant 0 : i32
      %dma_wait3A_758 = tpu.memref_slice %arg6[%dma_wait3A_755, %dma_wait3A_756, %dma_wait3A_757] : memref<8x128x64xf32, #tpu.memory_space<vmem>> -> memref<1x128x64xf32, #tpu.memory_space<vmem>>
      %dma_wait3A_759 = tpu.memref_squeeze %dma_wait3A_758 : memref<1x128x64xf32, #tpu.memory_space<vmem>> -> memref<128x64xf32, #tpu.memory_space<vmem>>
      %dma_wait3A_760 = arith.constant 0 : i32
      %dma_wait3A_761 = tpu.memref_slice %arg4[%add3A_754, %dma_wait3A_760] : memref<262144x64xf32, #tpu.memory_space<hbm>> -> memref<128x64xf32, #tpu.memory_space<hbm>>
      %dma_wait3A_762 = arith.constant 0 : i32
      %dma_wait3A_763 = tpu.memref_slice %arg4[%add3A_754, %dma_wait3A_762] : memref<262144x64xf32, #tpu.memory_space<hbm>> -> memref<128x64xf32, #tpu.memory_space<hbm>>
      %dma_wait3A_764 = arith.constant 0 : i32
      %dma_wait3A_765 = arith.constant 0 : i32
      %dma_wait3A_766 = tpu.memref_slice %arg6[%dma_wait3A_755, %dma_wait3A_764, %dma_wait3A_765] : memref<8x128x64xf32, #tpu.memory_space<vmem>> -> memref<1x128x64xf32, #tpu.memory_space<vmem>>
      %dma_wait3A_767 = tpu.memref_squeeze %dma_wait3A_766 : memref<1x128x64xf32, #tpu.memory_space<vmem>> -> memref<128x64xf32, #tpu.memory_space<vmem>>
      tpu.wait_dma2 semaphore(%arg17 : memref<!tpu.dma_semaphore, #tpu.memory_space<semaphore_mem>>) src(%dma_wait3A_767 : memref<128x64xf32, #tpu.memory_space<vmem>>) dst(%dma_wait3A_763 : memref<128x64xf32, #tpu.memory_space<hbm>>)
      %mul3A_768 = arith.constant 8 : i32
      %mul3A_769 = arith.muli %scan3A_407, %mul3A_768 : i32
      %add3A_770 = arith.constant 2 : i32
      %add3A_771 = arith.addi %mul3A_769, %add3A_770 : i32
      %mul3A_772 = arith.constant 128 : i32
      %mul3A_773 = arith.muli %add3A_771, %mul3A_772 : i32
      %dma_start3A_774 = arith.constant 2 : i32
      %dma_start3A_775 = arith.constant 0 : i32
      %dma_start3A_776 = arith.constant 0 : i32
      %dma_start3A_777 = tpu.memref_slice %arg6[%dma_start3A_774, %dma_start3A_775, %dma_start3A_776] : memref<8x128x64xf32, #tpu.memory_space<vmem>> -> memref<1x128x64xf32, #tpu.memory_space<vmem>>
      %dma_start3A_778 = tpu.memref_squeeze %dma_start3A_777 : memref<1x128x64xf32, #tpu.memory_space<vmem>> -> memref<128x64xf32, #tpu.memory_space<vmem>>
      %dma_start3A_779 = tpu.memref_slice %arg5[%mul3A_773] : memref<8192xi32, #tpu.memory_space<vmem>> -> memref<128xi32, #tpu.memory_space<vmem>>
      %dma_start3A_780 = arith.constant 0 : i32
      %dma_start3A_781 = arith.constant 0 : i32
      %dma_start3A_782 = tpu.memref_slice %arg3[%dma_start3A_780, %dma_start3A_781] : memref<100000x64xf32, #tpu.memory_space<hbm>> -> memref<100000x64xf32, #tpu.memory_space<hbm>>
      tpu.enqueue_indirect_dma source(%dma_start3A_782 : memref<100000x64xf32, #tpu.memory_space<hbm>>) target(%dma_start3A_778 : memref<128x64xf32, #tpu.memory_space<vmem>>) offsets(%dma_start3A_779 : memref<128xi32, #tpu.memory_space<vmem>>) semaphore(%arg9 : memref<!tpu.dma_semaphore, #tpu.memory_space<semaphore_mem>>)
      %sub3A_783 = arith.constant 1 : i32
      %sub3A_784 = arith.subi %scan3A_407, %sub3A_783 : i32
      %mul3A_785 = arith.constant 8 : i32
      %mul3A_786 = arith.muli %sub3A_784, %mul3A_785 : i32
      %add3A_787 = arith.constant 3 : i32
      %add3A_788 = arith.addi %mul3A_786, %add3A_787 : i32
      %mul3A_789 = arith.constant 128 : i32
      %mul3A_790 = arith.muli %add3A_788, %mul3A_789 : i32
      %add3A_791 = arith.addi %mul3A_2, %mul3A_790 : i32
      %dma_wait3A_792 = arith.constant 3 : i32
      %dma_wait3A_793 = arith.constant 0 : i32
      %dma_wait3A_794 = arith.constant 0 : i32
      %dma_wait3A_795 = tpu.memref_slice %arg6[%dma_wait3A_792, %dma_wait3A_793, %dma_wait3A_794] : memref<8x128x64xf32, #tpu.memory_space<vmem>> -> memref<1x128x64xf32, #tpu.memory_space<vmem>>
      %dma_wait3A_796 = tpu.memref_squeeze %dma_wait3A_795 : memref<1x128x64xf32, #tpu.memory_space<vmem>> -> memref<128x64xf32, #tpu.memory_space<vmem>>
      %dma_wait3A_797 = arith.constant 0 : i32
      %dma_wait3A_798 = tpu.memref_slice %arg4[%add3A_791, %dma_wait3A_797] : memref<262144x64xf32, #tpu.memory_space<hbm>> -> memref<128x64xf32, #tpu.memory_space<hbm>>
      %dma_wait3A_799 = arith.constant 0 : i32
      %dma_wait3A_800 = tpu.memref_slice %arg4[%add3A_791, %dma_wait3A_799] : memref<262144x64xf32, #tpu.memory_space<hbm>> -> memref<128x64xf32, #tpu.memory_space<hbm>>
      %dma_wait3A_801 = arith.constant 0 : i32
      %dma_wait3A_802 = arith.constant 0 : i32
      %dma_wait3A_803 = tpu.memref_slice %arg6[%dma_wait3A_792, %dma_wait3A_801, %dma_wait3A_802] : memref<8x128x64xf32, #tpu.memory_space<vmem>> -> memref<1x128x64xf32, #tpu.memory_space<vmem>>
      %dma_wait3A_804 = tpu.memref_squeeze %dma_wait3A_803 : memref<1x128x64xf32, #tpu.memory_space<vmem>> -> memref<128x64xf32, #tpu.memory_space<vmem>>
      tpu.wait_dma2 semaphore(%arg18 : memref<!tpu.dma_semaphore, #tpu.memory_space<semaphore_mem>>) src(%dma_wait3A_804 : memref<128x64xf32, #tpu.memory_space<vmem>>) dst(%dma_wait3A_800 : memref<128x64xf32, #tpu.memory_space<hbm>>)
      %mul3A_805 = arith.constant 8 : i32
      %mul3A_806 = arith.muli %scan3A_407, %mul3A_805 : i32
      %add3A_807 = arith.constant 3 : i32
      %add3A_808 = arith.addi %mul3A_806, %add3A_807 : i32
      %mul3A_809 = arith.constant 128 : i32
      %mul3A_810 = arith.muli %add3A_808, %mul3A_809 : i32
      %dma_start3A_811 = arith.constant 3 : i32
      %dma_start3A_812 = arith.constant 0 : i32
      %dma_start3A_813 = arith.constant 0 : i32
      %dma_start3A_814 = tpu.memref_slice %arg6[%dma_start3A_811, %dma_start3A_812, %dma_start3A_813] : memref<8x128x64xf32, #tpu.memory_space<vmem>> -> memref<1x128x64xf32, #tpu.memory_space<vmem>>
      %dma_start3A_815 = tpu.memref_squeeze %dma_start3A_814 : memref<1x128x64xf32, #tpu.memory_space<vmem>> -> memref<128x64xf32, #tpu.memory_space<vmem>>
      %dma_start3A_816 = tpu.memref_slice %arg5[%mul3A_810] : memref<8192xi32, #tpu.memory_space<vmem>> -> memref<128xi32, #tpu.memory_space<vmem>>
      %dma_start3A_817 = arith.constant 0 : i32
      %dma_start3A_818 = arith.constant 0 : i32
      %dma_start3A_819 = tpu.memref_slice %arg3[%dma_start3A_817, %dma_start3A_818] : memref<100000x64xf32, #tpu.memory_space<hbm>> -> memref<100000x64xf32, #tpu.memory_space<hbm>>
      tpu.enqueue_indirect_dma source(%dma_start3A_819 : memref<100000x64xf32, #tpu.memory_space<hbm>>) target(%dma_start3A_815 : memref<128x64xf32, #tpu.memory_space<vmem>>) offsets(%dma_start3A_816 : memref<128xi32, #tpu.memory_space<vmem>>) semaphore(%arg10 : memref<!tpu.dma_semaphore, #tpu.memory_space<semaphore_mem>>)
      %sub3A_820 = arith.constant 1 : i32
      %sub3A_821 = arith.subi %scan3A_407, %sub3A_820 : i32
      %mul3A_822 = arith.constant 8 : i32
      %mul3A_823 = arith.muli %sub3A_821, %mul3A_822 : i32
      %add3A_824 = arith.constant 4 : i32
      %add3A_825 = arith.addi %mul3A_823, %add3A_824 : i32
      %mul3A_826 = arith.constant 128 : i32
      %mul3A_827 = arith.muli %add3A_825, %mul3A_826 : i32
      %add3A_828 = arith.addi %mul3A_2, %mul3A_827 : i32
      %dma_wait3A_829 = arith.constant 4 : i32
      %dma_wait3A_830 = arith.constant 0 : i32
      %dma_wait3A_831 = arith.constant 0 : i32
      %dma_wait3A_832 = tpu.memref_slice %arg6[%dma_wait3A_829, %dma_wait3A_830, %dma_wait3A_831] : memref<8x128x64xf32, #tpu.memory_space<vmem>> -> memref<1x128x64xf32, #tpu.memory_space<vmem>>
      %dma_wait3A_833 = tpu.memref_squeeze %dma_wait3A_832 : memref<1x128x64xf32, #tpu.memory_space<vmem>> -> memref<128x64xf32, #tpu.memory_space<vmem>>
      %dma_wait3A_834 = arith.constant 0 : i32
      %dma_wait3A_835 = tpu.memref_slice %arg4[%add3A_828, %dma_wait3A_834] : memref<262144x64xf32, #tpu.memory_space<hbm>> -> memref<128x64xf32, #tpu.memory_space<hbm>>
      %dma_wait3A_836 = arith.constant 0 : i32
      %dma_wait3A_837 = tpu.memref_slice %arg4[%add3A_828, %dma_wait3A_836] : memref<262144x64xf32, #tpu.memory_space<hbm>> -> memref<128x64xf32, #tpu.memory_space<hbm>>
      %dma_wait3A_838 = arith.constant 0 : i32
      %dma_wait3A_839 = arith.constant 0 : i32
      %dma_wait3A_840 = tpu.memref_slice %arg6[%dma_wait3A_829, %dma_wait3A_838, %dma_wait3A_839] : memref<8x128x64xf32, #tpu.memory_space<vmem>> -> memref<1x128x64xf32, #tpu.memory_space<vmem>>
      %dma_wait3A_841 = tpu.memref_squeeze %dma_wait3A_840 : memref<1x128x64xf32, #tpu.memory_space<vmem>> -> memref<128x64xf32, #tpu.memory_space<vmem>>
      tpu.wait_dma2 semaphore(%arg19 : memref<!tpu.dma_semaphore, #tpu.memory_space<semaphore_mem>>) src(%dma_wait3A_841 : memref<128x64xf32, #tpu.memory_space<vmem>>) dst(%dma_wait3A_837 : memref<128x64xf32, #tpu.memory_space<hbm>>)
      %mul3A_842 = arith.constant 8 : i32
      %mul3A_843 = arith.muli %scan3A_407, %mul3A_842 : i32
      %add3A_844 = arith.constant 4 : i32
      %add3A_845 = arith.addi %mul3A_843, %add3A_844 : i32
      %mul3A_846 = arith.constant 128 : i32
      %mul3A_847 = arith.muli %add3A_845, %mul3A_846 : i32
      %dma_start3A_848 = arith.constant 4 : i32
      %dma_start3A_849 = arith.constant 0 : i32
      %dma_start3A_850 = arith.constant 0 : i32
      %dma_start3A_851 = tpu.memref_slice %arg6[%dma_start3A_848, %dma_start3A_849, %dma_start3A_850] : memref<8x128x64xf32, #tpu.memory_space<vmem>> -> memref<1x128x64xf32, #tpu.memory_space<vmem>>
      %dma_start3A_852 = tpu.memref_squeeze %dma_start3A_851 : memref<1x128x64xf32, #tpu.memory_space<vmem>> -> memref<128x64xf32, #tpu.memory_space<vmem>>
      %dma_start3A_853 = tpu.memref_slice %arg5[%mul3A_847] : memref<8192xi32, #tpu.memory_space<vmem>> -> memref<128xi32, #tpu.memory_space<vmem>>
      %dma_start3A_854 = arith.constant 0 : i32
      %dma_start3A_855 = arith.constant 0 : i32
      %dma_start3A_856 = tpu.memref_slice %arg3[%dma_start3A_854, %dma_start3A_855] : memref<100000x64xf32, #tpu.memory_space<hbm>> -> memref<100000x64xf32, #tpu.memory_space<hbm>>
      tpu.enqueue_indirect_dma source(%dma_start3A_856 : memref<100000x64xf32, #tpu.memory_space<hbm>>) target(%dma_start3A_852 : memref<128x64xf32, #tpu.memory_space<vmem>>) offsets(%dma_start3A_853 : memref<128xi32, #tpu.memory_space<vmem>>) semaphore(%arg11 : memref<!tpu.dma_semaphore, #tpu.memory_space<semaphore_mem>>)
      %sub3A_857 = arith.constant 1 : i32
      %sub3A_858 = arith.subi %scan3A_407, %sub3A_857 : i32
      %mul3A_859 = arith.constant 8 : i32
      %mul3A_860 = arith.muli %sub3A_858, %mul3A_859 : i32
      %add3A_861 = arith.constant 5 : i32
      %add3A_862 = arith.addi %mul3A_860, %add3A_861 : i32
      %mul3A_863 = arith.constant 128 : i32
      %mul3A_864 = arith.muli %add3A_862, %mul3A_863 : i32
      %add3A_865 = arith.addi %mul3A_2, %mul3A_864 : i32
      %dma_wait3A_866 = arith.constant 5 : i32
      %dma_wait3A_867 = arith.constant 0 : i32
      %dma_wait3A_868 = arith.constant 0 : i32
      %dma_wait3A_869 = tpu.memref_slice %arg6[%dma_wait3A_866, %dma_wait3A_867, %dma_wait3A_868] : memref<8x128x64xf32, #tpu.memory_space<vmem>> -> memref<1x128x64xf32, #tpu.memory_space<vmem>>
      %dma_wait3A_870 = tpu.memref_squeeze %dma_wait3A_869 : memref<1x128x64xf32, #tpu.memory_space<vmem>> -> memref<128x64xf32, #tpu.memory_space<vmem>>
      %dma_wait3A_871 = arith.constant 0 : i32
      %dma_wait3A_872 = tpu.memref_slice %arg4[%add3A_865, %dma_wait3A_871] : memref<262144x64xf32, #tpu.memory_space<hbm>> -> memref<128x64xf32, #tpu.memory_space<hbm>>
      %dma_wait3A_873 = arith.constant 0 : i32
      %dma_wait3A_874 = tpu.memref_slice %arg4[%add3A_865, %dma_wait3A_873] : memref<262144x64xf32, #tpu.memory_space<hbm>> -> memref<128x64xf32, #tpu.memory_space<hbm>>
      %dma_wait3A_875 = arith.constant 0 : i32
      %dma_wait3A_876 = arith.constant 0 : i32
      %dma_wait3A_877 = tpu.memref_slice %arg6[%dma_wait3A_866, %dma_wait3A_875, %dma_wait3A_876] : memref<8x128x64xf32, #tpu.memory_space<vmem>> -> memref<1x128x64xf32, #tpu.memory_space<vmem>>
      %dma_wait3A_878 = tpu.memref_squeeze %dma_wait3A_877 : memref<1x128x64xf32, #tpu.memory_space<vmem>> -> memref<128x64xf32, #tpu.memory_space<vmem>>
      tpu.wait_dma2 semaphore(%arg20 : memref<!tpu.dma_semaphore, #tpu.memory_space<semaphore_mem>>) src(%dma_wait3A_878 : memref<128x64xf32, #tpu.memory_space<vmem>>) dst(%dma_wait3A_874 : memref<128x64xf32, #tpu.memory_space<hbm>>)
      %mul3A_879 = arith.constant 8 : i32
      %mul3A_880 = arith.muli %scan3A_407, %mul3A_879 : i32
      %add3A_881 = arith.constant 5 : i32
      %add3A_882 = arith.addi %mul3A_880, %add3A_881 : i32
      %mul3A_883 = arith.constant 128 : i32
      %mul3A_884 = arith.muli %add3A_882, %mul3A_883 : i32
      %dma_start3A_885 = arith.constant 5 : i32
      %dma_start3A_886 = arith.constant 0 : i32
      %dma_start3A_887 = arith.constant 0 : i32
      %dma_start3A_888 = tpu.memref_slice %arg6[%dma_start3A_885, %dma_start3A_886, %dma_start3A_887] : memref<8x128x64xf32, #tpu.memory_space<vmem>> -> memref<1x128x64xf32, #tpu.memory_space<vmem>>
      %dma_start3A_889 = tpu.memref_squeeze %dma_start3A_888 : memref<1x128x64xf32, #tpu.memory_space<vmem>> -> memref<128x64xf32, #tpu.memory_space<vmem>>
      %dma_start3A_890 = tpu.memref_slice %arg5[%mul3A_884] : memref<8192xi32, #tpu.memory_space<vmem>> -> memref<128xi32, #tpu.memory_space<vmem>>
      %dma_start3A_891 = arith.constant 0 : i32
      %dma_start3A_892 = arith.constant 0 : i32
      %dma_start3A_893 = tpu.memref_slice %arg3[%dma_start3A_891, %dma_start3A_892] : memref<100000x64xf32, #tpu.memory_space<hbm>> -> memref<100000x64xf32, #tpu.memory_space<hbm>>
      tpu.enqueue_indirect_dma source(%dma_start3A_893 : memref<100000x64xf32, #tpu.memory_space<hbm>>) target(%dma_start3A_889 : memref<128x64xf32, #tpu.memory_space<vmem>>) offsets(%dma_start3A_890 : memref<128xi32, #tpu.memory_space<vmem>>) semaphore(%arg12 : memref<!tpu.dma_semaphore, #tpu.memory_space<semaphore_mem>>)
      %sub3A_894 = arith.constant 1 : i32
      %sub3A_895 = arith.subi %scan3A_407, %sub3A_894 : i32
      %mul3A_896 = arith.constant 8 : i32
      %mul3A_897 = arith.muli %sub3A_895, %mul3A_896 : i32
      %add3A_898 = arith.constant 6 : i32
      %add3A_899 = arith.addi %mul3A_897, %add3A_898 : i32
      %mul3A_900 = arith.constant 128 : i32
      %mul3A_901 = arith.muli %add3A_899, %mul3A_900 : i32
      %add3A_902 = arith.addi %mul3A_2, %mul3A_901 : i32
      %dma_wait3A_903 = arith.constant 6 : i32
      %dma_wait3A_904 = arith.constant 0 : i32
      %dma_wait3A_905 = arith.constant 0 : i32
      %dma_wait3A_906 = tpu.memref_slice %arg6[%dma_wait3A_903, %dma_wait3A_904, %dma_wait3A_905] : memref<8x128x64xf32, #tpu.memory_space<vmem>> -> memref<1x128x64xf32, #tpu.memory_space<vmem>>
      %dma_wait3A_907 = tpu.memref_squeeze %dma_wait3A_906 : memref<1x128x64xf32, #tpu.memory_space<vmem>> -> memref<128x64xf32, #tpu.memory_space<vmem>>
      %dma_wait3A_908 = arith.constant 0 : i32
      %dma_wait3A_909 = tpu.memref_slice %arg4[%add3A_902, %dma_wait3A_908] : memref<262144x64xf32, #tpu.memory_space<hbm>> -> memref<128x64xf32, #tpu.memory_space<hbm>>
      %dma_wait3A_910 = arith.constant 0 : i32
      %dma_wait3A_911 = tpu.memref_slice %arg4[%add3A_902, %dma_wait3A_910] : memref<262144x64xf32, #tpu.memory_space<hbm>> -> memref<128x64xf32, #tpu.memory_space<hbm>>
      %dma_wait3A_912 = arith.constant 0 : i32
      %dma_wait3A_913 = arith.constant 0 : i32
      %dma_wait3A_914 = tpu.memref_slice %arg6[%dma_wait3A_903, %dma_wait3A_912, %dma_wait3A_913] : memref<8x128x64xf32, #tpu.memory_space<vmem>> -> memref<1x128x64xf32, #tpu.memory_space<vmem>>
      %dma_wait3A_915 = tpu.memref_squeeze %dma_wait3A_914 : memref<1x128x64xf32, #tpu.memory_space<vmem>> -> memref<128x64xf32, #tpu.memory_space<vmem>>
      tpu.wait_dma2 semaphore(%arg21 : memref<!tpu.dma_semaphore, #tpu.memory_space<semaphore_mem>>) src(%dma_wait3A_915 : memref<128x64xf32, #tpu.memory_space<vmem>>) dst(%dma_wait3A_911 : memref<128x64xf32, #tpu.memory_space<hbm>>)
      %mul3A_916 = arith.constant 8 : i32
      %mul3A_917 = arith.muli %scan3A_407, %mul3A_916 : i32
      %add3A_918 = arith.constant 6 : i32
      %add3A_919 = arith.addi %mul3A_917, %add3A_918 : i32
      %mul3A_920 = arith.constant 128 : i32
      %mul3A_921 = arith.muli %add3A_919, %mul3A_920 : i32
      %dma_start3A_922 = arith.constant 6 : i32
      %dma_start3A_923 = arith.constant 0 : i32
      %dma_start3A_924 = arith.constant 0 : i32
      %dma_start3A_925 = tpu.memref_slice %arg6[%dma_start3A_922, %dma_start3A_923, %dma_start3A_924] : memref<8x128x64xf32, #tpu.memory_space<vmem>> -> memref<1x128x64xf32, #tpu.memory_space<vmem>>
      %dma_start3A_926 = tpu.memref_squeeze %dma_start3A_925 : memref<1x128x64xf32, #tpu.memory_space<vmem>> -> memref<128x64xf32, #tpu.memory_space<vmem>>
      %dma_start3A_927 = tpu.memref_slice %arg5[%mul3A_921] : memref<8192xi32, #tpu.memory_space<vmem>> -> memref<128xi32, #tpu.memory_space<vmem>>
      %dma_start3A_928 = arith.constant 0 : i32
      %dma_start3A_929 = arith.constant 0 : i32
      %dma_start3A_930 = tpu.memref_slice %arg3[%dma_start3A_928, %dma_start3A_929] : memref<100000x64xf32, #tpu.memory_space<hbm>> -> memref<100000x64xf32, #tpu.memory_space<hbm>>
      tpu.enqueue_indirect_dma source(%dma_start3A_930 : memref<100000x64xf32, #tpu.memory_space<hbm>>) target(%dma_start3A_926 : memref<128x64xf32, #tpu.memory_space<vmem>>) offsets(%dma_start3A_927 : memref<128xi32, #tpu.memory_space<vmem>>) semaphore(%arg13 : memref<!tpu.dma_semaphore, #tpu.memory_space<semaphore_mem>>)
      %sub3A_931 = arith.constant 1 : i32
      %sub3A_932 = arith.subi %scan3A_407, %sub3A_931 : i32
      %mul3A_933 = arith.constant 8 : i32
      %mul3A_934 = arith.muli %sub3A_932, %mul3A_933 : i32
      %add3A_935 = arith.constant 7 : i32
      %add3A_936 = arith.addi %mul3A_934, %add3A_935 : i32
      %mul3A_937 = arith.constant 128 : i32
      %mul3A_938 = arith.muli %add3A_936, %mul3A_937 : i32
      %add3A_939 = arith.addi %mul3A_2, %mul3A_938 : i32
      %dma_wait3A_940 = arith.constant 7 : i32
      %dma_wait3A_941 = arith.constant 0 : i32
      %dma_wait3A_942 = arith.constant 0 : i32
      %dma_wait3A_943 = tpu.memref_slice %arg6[%dma_wait3A_940, %dma_wait3A_941, %dma_wait3A_942] : memref<8x128x64xf32, #tpu.memory_space<vmem>> -> memref<1x128x64xf32, #tpu.memory_space<vmem>>
      %dma_wait3A_944 = tpu.memref_squeeze %dma_wait3A_943 : memref<1x128x64xf32, #tpu.memory_space<vmem>> -> memref<128x64xf32, #tpu.memory_space<vmem>>
      %dma_wait3A_945 = arith.constant 0 : i32
      %dma_wait3A_946 = tpu.memref_slice %arg4[%add3A_939, %dma_wait3A_945] : memref<262144x64xf32, #tpu.memory_space<hbm>> -> memref<128x64xf32, #tpu.memory_space<hbm>>
      %dma_wait3A_947 = arith.constant 0 : i32
      %dma_wait3A_948 = tpu.memref_slice %arg4[%add3A_939, %dma_wait3A_947] : memref<262144x64xf32, #tpu.memory_space<hbm>> -> memref<128x64xf32, #tpu.memory_space<hbm>>
      %dma_wait3A_949 = arith.constant 0 : i32
      %dma_wait3A_950 = arith.constant 0 : i32
      %dma_wait3A_951 = tpu.memref_slice %arg6[%dma_wait3A_940, %dma_wait3A_949, %dma_wait3A_950] : memref<8x128x64xf32, #tpu.memory_space<vmem>> -> memref<1x128x64xf32, #tpu.memory_space<vmem>>
      %dma_wait3A_952 = tpu.memref_squeeze %dma_wait3A_951 : memref<1x128x64xf32, #tpu.memory_space<vmem>> -> memref<128x64xf32, #tpu.memory_space<vmem>>
      tpu.wait_dma2 semaphore(%arg22 : memref<!tpu.dma_semaphore, #tpu.memory_space<semaphore_mem>>) src(%dma_wait3A_952 : memref<128x64xf32, #tpu.memory_space<vmem>>) dst(%dma_wait3A_948 : memref<128x64xf32, #tpu.memory_space<hbm>>)
      %mul3A_953 = arith.constant 8 : i32
      %mul3A_954 = arith.muli %scan3A_407, %mul3A_953 : i32
      %add3A_955 = arith.constant 7 : i32
      %add3A_956 = arith.addi %mul3A_954, %add3A_955 : i32
      %mul3A_957 = arith.constant 128 : i32
      %mul3A_958 = arith.muli %add3A_956, %mul3A_957 : i32
      %dma_start3A_959 = arith.constant 7 : i32
      %dma_start3A_960 = arith.constant 0 : i32
      %dma_start3A_961 = arith.constant 0 : i32
      %dma_start3A_962 = tpu.memref_slice %arg6[%dma_start3A_959, %dma_start3A_960, %dma_start3A_961] : memref<8x128x64xf32, #tpu.memory_space<vmem>> -> memref<1x128x64xf32, #tpu.memory_space<vmem>>
      %dma_start3A_963 = tpu.memref_squeeze %dma_start3A_962 : memref<1x128x64xf32, #tpu.memory_space<vmem>> -> memref<128x64xf32, #tpu.memory_space<vmem>>
      %dma_start3A_964 = tpu.memref_slice %arg5[%mul3A_958] : memref<8192xi32, #tpu.memory_space<vmem>> -> memref<128xi32, #tpu.memory_space<vmem>>
      %dma_start3A_965 = arith.constant 0 : i32
      %dma_start3A_966 = arith.constant 0 : i32
      %dma_start3A_967 = tpu.memref_slice %arg3[%dma_start3A_965, %dma_start3A_966] : memref<100000x64xf32, #tpu.memory_space<hbm>> -> memref<100000x64xf32, #tpu.memory_space<hbm>>
      tpu.enqueue_indirect_dma source(%dma_start3A_967 : memref<100000x64xf32, #tpu.memory_space<hbm>>) target(%dma_start3A_963 : memref<128x64xf32, #tpu.memory_space<vmem>>) offsets(%dma_start3A_964 : memref<128xi32, #tpu.memory_space<vmem>>) semaphore(%arg14 : memref<!tpu.dma_semaphore, #tpu.memory_space<semaphore_mem>>)
      %scan3A_968 = arith.constant 0 : i32
      scf.yield %scan3A_968 : i32
    }
    %scan3A_87 = arith.constant 7 : i32
    %dma_wait3A = arith.constant 0 : i32
    %dma_wait3A_88 = arith.constant 0 : i32
    %dma_wait3A_89 = arith.constant 0 : i32
    %dma_wait3A_90 = tpu.memref_slice %arg6[%dma_wait3A, %dma_wait3A_88, %dma_wait3A_89] : memref<8x128x64xf32, #tpu.memory_space<vmem>> -> memref<1x128x64xf32, #tpu.memory_space<vmem>>
    %dma_wait3A_91 = tpu.memref_squeeze %dma_wait3A_90 : memref<1x128x64xf32, #tpu.memory_space<vmem>> -> memref<128x64xf32, #tpu.memory_space<vmem>>
    %dma_wait3A_92 = arith.constant 7168 : i32
    %dma_wait3A_93 = tpu.memref_slice %arg5[%dma_wait3A_92] : memref<8192xi32, #tpu.memory_space<vmem>> -> memref<128xi32, #tpu.memory_space<vmem>>
    %dma_wait3A_94 = arith.constant 0 : i32
    %dma_wait3A_95 = arith.constant 0 : i32
    %dma_wait3A_96 = tpu.memref_slice %arg3[%dma_wait3A_94, %dma_wait3A_95] : memref<100000x64xf32, #tpu.memory_space<hbm>> -> memref<100000x64xf32, #tpu.memory_space<hbm>>
    tpu.wait_indirect_dma semaphore(%arg7 : memref<!tpu.dma_semaphore, #tpu.memory_space<semaphore_mem>>) src(%dma_wait3A_96 : memref<100000x64xf32, #tpu.memory_space<hbm>>) dst(%dma_wait3A_91 : memref<128x64xf32, #tpu.memory_space<vmem>>)
    %add3A_97 = arith.constant 7168 : i32
    %add3A_98 = arith.addi %mul3A_2, %add3A_97 : i32
    %dma_start3A_99 = arith.constant 0 : i32
    %dma_start3A_100 = arith.constant 0 : i32
    %dma_start3A_101 = arith.constant 0 : i32
    %dma_start3A_102 = tpu.memref_slice %arg6[%dma_start3A_99, %dma_start3A_100, %dma_start3A_101] : memref<8x128x64xf32, #tpu.memory_space<vmem>> -> memref<1x128x64xf32, #tpu.memory_space<vmem>>
    %dma_start3A_103 = tpu.memref_squeeze %dma_start3A_102 : memref<1x128x64xf32, #tpu.memory_space<vmem>> -> memref<128x64xf32, #tpu.memory_space<vmem>>
    %dma_start3A_104 = arith.constant 0 : i32
    %dma_start3A_105 = tpu.memref_slice %arg4[%add3A_98, %dma_start3A_104] : memref<262144x64xf32, #tpu.memory_space<hbm>> -> memref<128x64xf32, #tpu.memory_space<hbm>>
    %dma_start3A_106 = arith.constant 0 : i32
    %dma_start3A_107 = tpu.memref_slice %arg4[%add3A_98, %dma_start3A_106] : memref<262144x64xf32, #tpu.memory_space<hbm>> -> memref<128x64xf32, #tpu.memory_space<hbm>>
    %dma_start3A_108 = arith.constant 0 : i32
    %dma_start3A_109 = arith.constant 0 : i32
    %dma_start3A_110 = tpu.memref_slice %arg6[%dma_start3A_99, %dma_start3A_108, %dma_start3A_109] : memref<8x128x64xf32, #tpu.memory_space<vmem>> -> memref<1x128x64xf32, #tpu.memory_space<vmem>>
    %dma_start3A_111 = tpu.memref_squeeze %dma_start3A_110 : memref<1x128x64xf32, #tpu.memory_space<vmem>> -> memref<128x64xf32, #tpu.memory_space<vmem>>
    tpu.enqueue_dma source(%dma_start3A_111 : memref<128x64xf32, #tpu.memory_space<vmem>>) target(%dma_start3A_107 : memref<128x64xf32, #tpu.memory_space<hbm>>) target_semaphore(%arg15 : memref<!tpu.dma_semaphore, #tpu.memory_space<semaphore_mem>>)
    %dma_wait3A_112 = arith.constant 1 : i32
    %dma_wait3A_113 = arith.constant 0 : i32
    %dma_wait3A_114 = arith.constant 0 : i32
    %dma_wait3A_115 = tpu.memref_slice %arg6[%dma_wait3A_112, %dma_wait3A_113, %dma_wait3A_114] : memref<8x128x64xf32, #tpu.memory_space<vmem>> -> memref<1x128x64xf32, #tpu.memory_space<vmem>>
    %dma_wait3A_116 = tpu.memref_squeeze %dma_wait3A_115 : memref<1x128x64xf32, #tpu.memory_space<vmem>> -> memref<128x64xf32, #tpu.memory_space<vmem>>
    %dma_wait3A_117 = arith.constant 7296 : i32
    %dma_wait3A_118 = tpu.memref_slice %arg5[%dma_wait3A_117] : memref<8192xi32, #tpu.memory_space<vmem>> -> memref<128xi32, #tpu.memory_space<vmem>>
    %dma_wait3A_119 = arith.constant 0 : i32
    %dma_wait3A_120 = arith.constant 0 : i32
    %dma_wait3A_121 = tpu.memref_slice %arg3[%dma_wait3A_119, %dma_wait3A_120] : memref<100000x64xf32, #tpu.memory_space<hbm>> -> memref<100000x64xf32, #tpu.memory_space<hbm>>
    tpu.wait_indirect_dma semaphore(%arg8 : memref<!tpu.dma_semaphore, #tpu.memory_space<semaphore_mem>>) src(%dma_wait3A_121 : memref<100000x64xf32, #tpu.memory_space<hbm>>) dst(%dma_wait3A_116 : memref<128x64xf32, #tpu.memory_space<vmem>>)
    %add3A_122 = arith.constant 7296 : i32
    %add3A_123 = arith.addi %mul3A_2, %add3A_122 : i32
    %dma_start3A_124 = arith.constant 1 : i32
    %dma_start3A_125 = arith.constant 0 : i32
    %dma_start3A_126 = arith.constant 0 : i32
    %dma_start3A_127 = tpu.memref_slice %arg6[%dma_start3A_124, %dma_start3A_125, %dma_start3A_126] : memref<8x128x64xf32, #tpu.memory_space<vmem>> -> memref<1x128x64xf32, #tpu.memory_space<vmem>>
    %dma_start3A_128 = tpu.memref_squeeze %dma_start3A_127 : memref<1x128x64xf32, #tpu.memory_space<vmem>> -> memref<128x64xf32, #tpu.memory_space<vmem>>
    %dma_start3A_129 = arith.constant 0 : i32
    %dma_start3A_130 = tpu.memref_slice %arg4[%add3A_123, %dma_start3A_129] : memref<262144x64xf32, #tpu.memory_space<hbm>> -> memref<128x64xf32, #tpu.memory_space<hbm>>
    %dma_start3A_131 = arith.constant 0 : i32
    %dma_start3A_132 = tpu.memref_slice %arg4[%add3A_123, %dma_start3A_131] : memref<262144x64xf32, #tpu.memory_space<hbm>> -> memref<128x64xf32, #tpu.memory_space<hbm>>
    %dma_start3A_133 = arith.constant 0 : i32
    %dma_start3A_134 = arith.constant 0 : i32
    %dma_start3A_135 = tpu.memref_slice %arg6[%dma_start3A_124, %dma_start3A_133, %dma_start3A_134] : memref<8x128x64xf32, #tpu.memory_space<vmem>> -> memref<1x128x64xf32, #tpu.memory_space<vmem>>
    %dma_start3A_136 = tpu.memref_squeeze %dma_start3A_135 : memref<1x128x64xf32, #tpu.memory_space<vmem>> -> memref<128x64xf32, #tpu.memory_space<vmem>>
    tpu.enqueue_dma source(%dma_start3A_136 : memref<128x64xf32, #tpu.memory_space<vmem>>) target(%dma_start3A_132 : memref<128x64xf32, #tpu.memory_space<hbm>>) target_semaphore(%arg16 : memref<!tpu.dma_semaphore, #tpu.memory_space<semaphore_mem>>)
    %dma_wait3A_137 = arith.constant 2 : i32
    %dma_wait3A_138 = arith.constant 0 : i32
    %dma_wait3A_139 = arith.constant 0 : i32
    %dma_wait3A_140 = tpu.memref_slice %arg6[%dma_wait3A_137, %dma_wait3A_138, %dma_wait3A_139] : memref<8x128x64xf32, #tpu.memory_space<vmem>> -> memref<1x128x64xf32, #tpu.memory_space<vmem>>
    %dma_wait3A_141 = tpu.memref_squeeze %dma_wait3A_140 : memref<1x128x64xf32, #tpu.memory_space<vmem>> -> memref<128x64xf32, #tpu.memory_space<vmem>>
    %dma_wait3A_142 = arith.constant 7424 : i32
    %dma_wait3A_143 = tpu.memref_slice %arg5[%dma_wait3A_142] : memref<8192xi32, #tpu.memory_space<vmem>> -> memref<128xi32, #tpu.memory_space<vmem>>
    %dma_wait3A_144 = arith.constant 0 : i32
    %dma_wait3A_145 = arith.constant 0 : i32
    %dma_wait3A_146 = tpu.memref_slice %arg3[%dma_wait3A_144, %dma_wait3A_145] : memref<100000x64xf32, #tpu.memory_space<hbm>> -> memref<100000x64xf32, #tpu.memory_space<hbm>>
    tpu.wait_indirect_dma semaphore(%arg9 : memref<!tpu.dma_semaphore, #tpu.memory_space<semaphore_mem>>) src(%dma_wait3A_146 : memref<100000x64xf32, #tpu.memory_space<hbm>>) dst(%dma_wait3A_141 : memref<128x64xf32, #tpu.memory_space<vmem>>)
    %add3A_147 = arith.constant 7424 : i32
    %add3A_148 = arith.addi %mul3A_2, %add3A_147 : i32
    %dma_start3A_149 = arith.constant 2 : i32
    %dma_start3A_150 = arith.constant 0 : i32
    %dma_start3A_151 = arith.constant 0 : i32
    %dma_start3A_152 = tpu.memref_slice %arg6[%dma_start3A_149, %dma_start3A_150, %dma_start3A_151] : memref<8x128x64xf32, #tpu.memory_space<vmem>> -> memref<1x128x64xf32, #tpu.memory_space<vmem>>
    %dma_start3A_153 = tpu.memref_squeeze %dma_start3A_152 : memref<1x128x64xf32, #tpu.memory_space<vmem>> -> memref<128x64xf32, #tpu.memory_space<vmem>>
    %dma_start3A_154 = arith.constant 0 : i32
    %dma_start3A_155 = tpu.memref_slice %arg4[%add3A_148, %dma_start3A_154] : memref<262144x64xf32, #tpu.memory_space<hbm>> -> memref<128x64xf32, #tpu.memory_space<hbm>>
    %dma_start3A_156 = arith.constant 0 : i32
    %dma_start3A_157 = tpu.memref_slice %arg4[%add3A_148, %dma_start3A_156] : memref<262144x64xf32, #tpu.memory_space<hbm>> -> memref<128x64xf32, #tpu.memory_space<hbm>>
    %dma_start3A_158 = arith.constant 0 : i32
    %dma_start3A_159 = arith.constant 0 : i32
    %dma_start3A_160 = tpu.memref_slice %arg6[%dma_start3A_149, %dma_start3A_158, %dma_start3A_159] : memref<8x128x64xf32, #tpu.memory_space<vmem>> -> memref<1x128x64xf32, #tpu.memory_space<vmem>>
    %dma_start3A_161 = tpu.memref_squeeze %dma_start3A_160 : memref<1x128x64xf32, #tpu.memory_space<vmem>> -> memref<128x64xf32, #tpu.memory_space<vmem>>
    tpu.enqueue_dma source(%dma_start3A_161 : memref<128x64xf32, #tpu.memory_space<vmem>>) target(%dma_start3A_157 : memref<128x64xf32, #tpu.memory_space<hbm>>) target_semaphore(%arg17 : memref<!tpu.dma_semaphore, #tpu.memory_space<semaphore_mem>>)
    %dma_wait3A_162 = arith.constant 3 : i32
    %dma_wait3A_163 = arith.constant 0 : i32
    %dma_wait3A_164 = arith.constant 0 : i32
    %dma_wait3A_165 = tpu.memref_slice %arg6[%dma_wait3A_162, %dma_wait3A_163, %dma_wait3A_164] : memref<8x128x64xf32, #tpu.memory_space<vmem>> -> memref<1x128x64xf32, #tpu.memory_space<vmem>>
    %dma_wait3A_166 = tpu.memref_squeeze %dma_wait3A_165 : memref<1x128x64xf32, #tpu.memory_space<vmem>> -> memref<128x64xf32, #tpu.memory_space<vmem>>
    %dma_wait3A_167 = arith.constant 7552 : i32
    %dma_wait3A_168 = tpu.memref_slice %arg5[%dma_wait3A_167] : memref<8192xi32, #tpu.memory_space<vmem>> -> memref<128xi32, #tpu.memory_space<vmem>>
    %dma_wait3A_169 = arith.constant 0 : i32
    %dma_wait3A_170 = arith.constant 0 : i32
    %dma_wait3A_171 = tpu.memref_slice %arg3[%dma_wait3A_169, %dma_wait3A_170] : memref<100000x64xf32, #tpu.memory_space<hbm>> -> memref<100000x64xf32, #tpu.memory_space<hbm>>
    tpu.wait_indirect_dma semaphore(%arg10 : memref<!tpu.dma_semaphore, #tpu.memory_space<semaphore_mem>>) src(%dma_wait3A_171 : memref<100000x64xf32, #tpu.memory_space<hbm>>) dst(%dma_wait3A_166 : memref<128x64xf32, #tpu.memory_space<vmem>>)
    %add3A_172 = arith.constant 7552 : i32
    %add3A_173 = arith.addi %mul3A_2, %add3A_172 : i32
    %dma_start3A_174 = arith.constant 3 : i32
    %dma_start3A_175 = arith.constant 0 : i32
    %dma_start3A_176 = arith.constant 0 : i32
    %dma_start3A_177 = tpu.memref_slice %arg6[%dma_start3A_174, %dma_start3A_175, %dma_start3A_176] : memref<8x128x64xf32, #tpu.memory_space<vmem>> -> memref<1x128x64xf32, #tpu.memory_space<vmem>>
    %dma_start3A_178 = tpu.memref_squeeze %dma_start3A_177 : memref<1x128x64xf32, #tpu.memory_space<vmem>> -> memref<128x64xf32, #tpu.memory_space<vmem>>
    %dma_start3A_179 = arith.constant 0 : i32
    %dma_start3A_180 = tpu.memref_slice %arg4[%add3A_173, %dma_start3A_179] : memref<262144x64xf32, #tpu.memory_space<hbm>> -> memref<128x64xf32, #tpu.memory_space<hbm>>
    %dma_start3A_181 = arith.constant 0 : i32
    %dma_start3A_182 = tpu.memref_slice %arg4[%add3A_173, %dma_start3A_181] : memref<262144x64xf32, #tpu.memory_space<hbm>> -> memref<128x64xf32, #tpu.memory_space<hbm>>
    %dma_start3A_183 = arith.constant 0 : i32
    %dma_start3A_184 = arith.constant 0 : i32
    %dma_start3A_185 = tpu.memref_slice %arg6[%dma_start3A_174, %dma_start3A_183, %dma_start3A_184] : memref<8x128x64xf32, #tpu.memory_space<vmem>> -> memref<1x128x64xf32, #tpu.memory_space<vmem>>
    %dma_start3A_186 = tpu.memref_squeeze %dma_start3A_185 : memref<1x128x64xf32, #tpu.memory_space<vmem>> -> memref<128x64xf32, #tpu.memory_space<vmem>>
    tpu.enqueue_dma source(%dma_start3A_186 : memref<128x64xf32, #tpu.memory_space<vmem>>) target(%dma_start3A_182 : memref<128x64xf32, #tpu.memory_space<hbm>>) target_semaphore(%arg18 : memref<!tpu.dma_semaphore, #tpu.memory_space<semaphore_mem>>)
    %dma_wait3A_187 = arith.constant 4 : i32
    %dma_wait3A_188 = arith.constant 0 : i32
    %dma_wait3A_189 = arith.constant 0 : i32
    %dma_wait3A_190 = tpu.memref_slice %arg6[%dma_wait3A_187, %dma_wait3A_188, %dma_wait3A_189] : memref<8x128x64xf32, #tpu.memory_space<vmem>> -> memref<1x128x64xf32, #tpu.memory_space<vmem>>
    %dma_wait3A_191 = tpu.memref_squeeze %dma_wait3A_190 : memref<1x128x64xf32, #tpu.memory_space<vmem>> -> memref<128x64xf32, #tpu.memory_space<vmem>>
    %dma_wait3A_192 = arith.constant 7680 : i32
    %dma_wait3A_193 = tpu.memref_slice %arg5[%dma_wait3A_192] : memref<8192xi32, #tpu.memory_space<vmem>> -> memref<128xi32, #tpu.memory_space<vmem>>
    %dma_wait3A_194 = arith.constant 0 : i32
    %dma_wait3A_195 = arith.constant 0 : i32
    %dma_wait3A_196 = tpu.memref_slice %arg3[%dma_wait3A_194, %dma_wait3A_195] : memref<100000x64xf32, #tpu.memory_space<hbm>> -> memref<100000x64xf32, #tpu.memory_space<hbm>>
    tpu.wait_indirect_dma semaphore(%arg11 : memref<!tpu.dma_semaphore, #tpu.memory_space<semaphore_mem>>) src(%dma_wait3A_196 : memref<100000x64xf32, #tpu.memory_space<hbm>>) dst(%dma_wait3A_191 : memref<128x64xf32, #tpu.memory_space<vmem>>)
    %add3A_197 = arith.constant 7680 : i32
    %add3A_198 = arith.addi %mul3A_2, %add3A_197 : i32
    %dma_start3A_199 = arith.constant 4 : i32
    %dma_start3A_200 = arith.constant 0 : i32
    %dma_start3A_201 = arith.constant 0 : i32
    %dma_start3A_202 = tpu.memref_slice %arg6[%dma_start3A_199, %dma_start3A_200, %dma_start3A_201] : memref<8x128x64xf32, #tpu.memory_space<vmem>> -> memref<1x128x64xf32, #tpu.memory_space<vmem>>
    %dma_start3A_203 = tpu.memref_squeeze %dma_start3A_202 : memref<1x128x64xf32, #tpu.memory_space<vmem>> -> memref<128x64xf32, #tpu.memory_space<vmem>>
    %dma_start3A_204 = arith.constant 0 : i32
    %dma_start3A_205 = tpu.memref_slice %arg4[%add3A_198, %dma_start3A_204] : memref<262144x64xf32, #tpu.memory_space<hbm>> -> memref<128x64xf32, #tpu.memory_space<hbm>>
    %dma_start3A_206 = arith.constant 0 : i32
    %dma_start3A_207 = tpu.memref_slice %arg4[%add3A_198, %dma_start3A_206] : memref<262144x64xf32, #tpu.memory_space<hbm>> -> memref<128x64xf32, #tpu.memory_space<hbm>>
    %dma_start3A_208 = arith.constant 0 : i32
    %dma_start3A_209 = arith.constant 0 : i32
    %dma_start3A_210 = tpu.memref_slice %arg6[%dma_start3A_199, %dma_start3A_208, %dma_start3A_209] : memref<8x128x64xf32, #tpu.memory_space<vmem>> -> memref<1x128x64xf32, #tpu.memory_space<vmem>>
    %dma_start3A_211 = tpu.memref_squeeze %dma_start3A_210 : memref<1x128x64xf32, #tpu.memory_space<vmem>> -> memref<128x64xf32, #tpu.memory_space<vmem>>
    tpu.enqueue_dma source(%dma_start3A_211 : memref<128x64xf32, #tpu.memory_space<vmem>>) target(%dma_start3A_207 : memref<128x64xf32, #tpu.memory_space<hbm>>) target_semaphore(%arg19 : memref<!tpu.dma_semaphore, #tpu.memory_space<semaphore_mem>>)
    %dma_wait3A_212 = arith.constant 5 : i32
    %dma_wait3A_213 = arith.constant 0 : i32
    %dma_wait3A_214 = arith.constant 0 : i32
    %dma_wait3A_215 = tpu.memref_slice %arg6[%dma_wait3A_212, %dma_wait3A_213, %dma_wait3A_214] : memref<8x128x64xf32, #tpu.memory_space<vmem>> -> memref<1x128x64xf32, #tpu.memory_space<vmem>>
    %dma_wait3A_216 = tpu.memref_squeeze %dma_wait3A_215 : memref<1x128x64xf32, #tpu.memory_space<vmem>> -> memref<128x64xf32, #tpu.memory_space<vmem>>
    %dma_wait3A_217 = arith.constant 7808 : i32
    %dma_wait3A_218 = tpu.memref_slice %arg5[%dma_wait3A_217] : memref<8192xi32, #tpu.memory_space<vmem>> -> memref<128xi32, #tpu.memory_space<vmem>>
    %dma_wait3A_219 = arith.constant 0 : i32
    %dma_wait3A_220 = arith.constant 0 : i32
    %dma_wait3A_221 = tpu.memref_slice %arg3[%dma_wait3A_219, %dma_wait3A_220] : memref<100000x64xf32, #tpu.memory_space<hbm>> -> memref<100000x64xf32, #tpu.memory_space<hbm>>
    tpu.wait_indirect_dma semaphore(%arg12 : memref<!tpu.dma_semaphore, #tpu.memory_space<semaphore_mem>>) src(%dma_wait3A_221 : memref<100000x64xf32, #tpu.memory_space<hbm>>) dst(%dma_wait3A_216 : memref<128x64xf32, #tpu.memory_space<vmem>>)
    %add3A_222 = arith.constant 7808 : i32
    %add3A_223 = arith.addi %mul3A_2, %add3A_222 : i32
    %dma_start3A_224 = arith.constant 5 : i32
    %dma_start3A_225 = arith.constant 0 : i32
    %dma_start3A_226 = arith.constant 0 : i32
    %dma_start3A_227 = tpu.memref_slice %arg6[%dma_start3A_224, %dma_start3A_225, %dma_start3A_226] : memref<8x128x64xf32, #tpu.memory_space<vmem>> -> memref<1x128x64xf32, #tpu.memory_space<vmem>>
    %dma_start3A_228 = tpu.memref_squeeze %dma_start3A_227 : memref<1x128x64xf32, #tpu.memory_space<vmem>> -> memref<128x64xf32, #tpu.memory_space<vmem>>
    %dma_start3A_229 = arith.constant 0 : i32
    %dma_start3A_230 = tpu.memref_slice %arg4[%add3A_223, %dma_start3A_229] : memref<262144x64xf32, #tpu.memory_space<hbm>> -> memref<128x64xf32, #tpu.memory_space<hbm>>
    %dma_start3A_231 = arith.constant 0 : i32
    %dma_start3A_232 = tpu.memref_slice %arg4[%add3A_223, %dma_start3A_231] : memref<262144x64xf32, #tpu.memory_space<hbm>> -> memref<128x64xf32, #tpu.memory_space<hbm>>
    %dma_start3A_233 = arith.constant 0 : i32
    %dma_start3A_234 = arith.constant 0 : i32
    %dma_start3A_235 = tpu.memref_slice %arg6[%dma_start3A_224, %dma_start3A_233, %dma_start3A_234] : memref<8x128x64xf32, #tpu.memory_space<vmem>> -> memref<1x128x64xf32, #tpu.memory_space<vmem>>
    %dma_start3A_236 = tpu.memref_squeeze %dma_start3A_235 : memref<1x128x64xf32, #tpu.memory_space<vmem>> -> memref<128x64xf32, #tpu.memory_space<vmem>>
    tpu.enqueue_dma source(%dma_start3A_236 : memref<128x64xf32, #tpu.memory_space<vmem>>) target(%dma_start3A_232 : memref<128x64xf32, #tpu.memory_space<hbm>>) target_semaphore(%arg20 : memref<!tpu.dma_semaphore, #tpu.memory_space<semaphore_mem>>)
    %dma_wait3A_237 = arith.constant 6 : i32
    %dma_wait3A_238 = arith.constant 0 : i32
    %dma_wait3A_239 = arith.constant 0 : i32
    %dma_wait3A_240 = tpu.memref_slice %arg6[%dma_wait3A_237, %dma_wait3A_238, %dma_wait3A_239] : memref<8x128x64xf32, #tpu.memory_space<vmem>> -> memref<1x128x64xf32, #tpu.memory_space<vmem>>
    %dma_wait3A_241 = tpu.memref_squeeze %dma_wait3A_240 : memref<1x128x64xf32, #tpu.memory_space<vmem>> -> memref<128x64xf32, #tpu.memory_space<vmem>>
    %dma_wait3A_242 = arith.constant 7936 : i32
    %dma_wait3A_243 = tpu.memref_slice %arg5[%dma_wait3A_242] : memref<8192xi32, #tpu.memory_space<vmem>> -> memref<128xi32, #tpu.memory_space<vmem>>
    %dma_wait3A_244 = arith.constant 0 : i32
    %dma_wait3A_245 = arith.constant 0 : i32
    %dma_wait3A_246 = tpu.memref_slice %arg3[%dma_wait3A_244, %dma_wait3A_245] : memref<100000x64xf32, #tpu.memory_space<hbm>> -> memref<100000x64xf32, #tpu.memory_space<hbm>>
    tpu.wait_indirect_dma semaphore(%arg13 : memref<!tpu.dma_semaphore, #tpu.memory_space<semaphore_mem>>) src(%dma_wait3A_246 : memref<100000x64xf32, #tpu.memory_space<hbm>>) dst(%dma_wait3A_241 : memref<128x64xf32, #tpu.memory_space<vmem>>)
    %add3A_247 = arith.constant 7936 : i32
    %add3A_248 = arith.addi %mul3A_2, %add3A_247 : i32
    %dma_start3A_249 = arith.constant 6 : i32
    %dma_start3A_250 = arith.constant 0 : i32
    %dma_start3A_251 = arith.constant 0 : i32
    %dma_start3A_252 = tpu.memref_slice %arg6[%dma_start3A_249, %dma_start3A_250, %dma_start3A_251] : memref<8x128x64xf32, #tpu.memory_space<vmem>> -> memref<1x128x64xf32, #tpu.memory_space<vmem>>
    %dma_start3A_253 = tpu.memref_squeeze %dma_start3A_252 : memref<1x128x64xf32, #tpu.memory_space<vmem>> -> memref<128x64xf32, #tpu.memory_space<vmem>>
    %dma_start3A_254 = arith.constant 0 : i32
    %dma_start3A_255 = tpu.memref_slice %arg4[%add3A_248, %dma_start3A_254] : memref<262144x64xf32, #tpu.memory_space<hbm>> -> memref<128x64xf32, #tpu.memory_space<hbm>>
    %dma_start3A_256 = arith.constant 0 : i32
    %dma_start3A_257 = tpu.memref_slice %arg4[%add3A_248, %dma_start3A_256] : memref<262144x64xf32, #tpu.memory_space<hbm>> -> memref<128x64xf32, #tpu.memory_space<hbm>>
    %dma_start3A_258 = arith.constant 0 : i32
    %dma_start3A_259 = arith.constant 0 : i32
    %dma_start3A_260 = tpu.memref_slice %arg6[%dma_start3A_249, %dma_start3A_258, %dma_start3A_259] : memref<8x128x64xf32, #tpu.memory_space<vmem>> -> memref<1x128x64xf32, #tpu.memory_space<vmem>>
    %dma_start3A_261 = tpu.memref_squeeze %dma_start3A_260 : memref<1x128x64xf32, #tpu.memory_space<vmem>> -> memref<128x64xf32, #tpu.memory_space<vmem>>
    tpu.enqueue_dma source(%dma_start3A_261 : memref<128x64xf32, #tpu.memory_space<vmem>>) target(%dma_start3A_257 : memref<128x64xf32, #tpu.memory_space<hbm>>) target_semaphore(%arg21 : memref<!tpu.dma_semaphore, #tpu.memory_space<semaphore_mem>>)
    %dma_wait3A_262 = arith.constant 7 : i32
    %dma_wait3A_263 = arith.constant 0 : i32
    %dma_wait3A_264 = arith.constant 0 : i32
    %dma_wait3A_265 = tpu.memref_slice %arg6[%dma_wait3A_262, %dma_wait3A_263, %dma_wait3A_264] : memref<8x128x64xf32, #tpu.memory_space<vmem>> -> memref<1x128x64xf32, #tpu.memory_space<vmem>>
    %dma_wait3A_266 = tpu.memref_squeeze %dma_wait3A_265 : memref<1x128x64xf32, #tpu.memory_space<vmem>> -> memref<128x64xf32, #tpu.memory_space<vmem>>
    %dma_wait3A_267 = arith.constant 8064 : i32
    %dma_wait3A_268 = tpu.memref_slice %arg5[%dma_wait3A_267] : memref<8192xi32, #tpu.memory_space<vmem>> -> memref<128xi32, #tpu.memory_space<vmem>>
    %dma_wait3A_269 = arith.constant 0 : i32
    %dma_wait3A_270 = arith.constant 0 : i32
    %dma_wait3A_271 = tpu.memref_slice %arg3[%dma_wait3A_269, %dma_wait3A_270] : memref<100000x64xf32, #tpu.memory_space<hbm>> -> memref<100000x64xf32, #tpu.memory_space<hbm>>
    tpu.wait_indirect_dma semaphore(%arg14 : memref<!tpu.dma_semaphore, #tpu.memory_space<semaphore_mem>>) src(%dma_wait3A_271 : memref<100000x64xf32, #tpu.memory_space<hbm>>) dst(%dma_wait3A_266 : memref<128x64xf32, #tpu.memory_space<vmem>>)
    %add3A_272 = arith.constant 8064 : i32
    %add3A_273 = arith.addi %mul3A_2, %add3A_272 : i32
    %dma_start3A_274 = arith.constant 7 : i32
    %dma_start3A_275 = arith.constant 0 : i32
    %dma_start3A_276 = arith.constant 0 : i32
    %dma_start3A_277 = tpu.memref_slice %arg6[%dma_start3A_274, %dma_start3A_275, %dma_start3A_276] : memref<8x128x64xf32, #tpu.memory_space<vmem>> -> memref<1x128x64xf32, #tpu.memory_space<vmem>>
    %dma_start3A_278 = tpu.memref_squeeze %dma_start3A_277 : memref<1x128x64xf32, #tpu.memory_space<vmem>> -> memref<128x64xf32, #tpu.memory_space<vmem>>
    %dma_start3A_279 = arith.constant 0 : i32
    %dma_start3A_280 = tpu.memref_slice %arg4[%add3A_273, %dma_start3A_279] : memref<262144x64xf32, #tpu.memory_space<hbm>> -> memref<128x64xf32, #tpu.memory_space<hbm>>
    %dma_start3A_281 = arith.constant 0 : i32
    %dma_start3A_282 = tpu.memref_slice %arg4[%add3A_273, %dma_start3A_281] : memref<262144x64xf32, #tpu.memory_space<hbm>> -> memref<128x64xf32, #tpu.memory_space<hbm>>
    %dma_start3A_283 = arith.constant 0 : i32
    %dma_start3A_284 = arith.constant 0 : i32
    %dma_start3A_285 = tpu.memref_slice %arg6[%dma_start3A_274, %dma_start3A_283, %dma_start3A_284] : memref<8x128x64xf32, #tpu.memory_space<vmem>> -> memref<1x128x64xf32, #tpu.memory_space<vmem>>
    %dma_start3A_286 = tpu.memref_squeeze %dma_start3A_285 : memref<1x128x64xf32, #tpu.memory_space<vmem>> -> memref<128x64xf32, #tpu.memory_space<vmem>>
    tpu.enqueue_dma source(%dma_start3A_286 : memref<128x64xf32, #tpu.memory_space<vmem>>) target(%dma_start3A_282 : memref<128x64xf32, #tpu.memory_space<hbm>>) target_semaphore(%arg22 : memref<!tpu.dma_semaphore, #tpu.memory_space<semaphore_mem>>)
    %add3A_287 = arith.constant 7168 : i32
    %add3A_288 = arith.addi %mul3A_2, %add3A_287 : i32
    %dma_wait3A_289 = arith.constant 0 : i32
    %dma_wait3A_290 = arith.constant 0 : i32
    %dma_wait3A_291 = arith.constant 0 : i32
    %dma_wait3A_292 = tpu.memref_slice %arg6[%dma_wait3A_289, %dma_wait3A_290, %dma_wait3A_291] : memref<8x128x64xf32, #tpu.memory_space<vmem>> -> memref<1x128x64xf32, #tpu.memory_space<vmem>>
    %dma_wait3A_293 = tpu.memref_squeeze %dma_wait3A_292 : memref<1x128x64xf32, #tpu.memory_space<vmem>> -> memref<128x64xf32, #tpu.memory_space<vmem>>
    %dma_wait3A_294 = arith.constant 0 : i32
    %dma_wait3A_295 = tpu.memref_slice %arg4[%add3A_288, %dma_wait3A_294] : memref<262144x64xf32, #tpu.memory_space<hbm>> -> memref<128x64xf32, #tpu.memory_space<hbm>>
    %dma_wait3A_296 = arith.constant 0 : i32
    %dma_wait3A_297 = tpu.memref_slice %arg4[%add3A_288, %dma_wait3A_296] : memref<262144x64xf32, #tpu.memory_space<hbm>> -> memref<128x64xf32, #tpu.memory_space<hbm>>
    %dma_wait3A_298 = arith.constant 0 : i32
    %dma_wait3A_299 = arith.constant 0 : i32
    %dma_wait3A_300 = tpu.memref_slice %arg6[%dma_wait3A_289, %dma_wait3A_298, %dma_wait3A_299] : memref<8x128x64xf32, #tpu.memory_space<vmem>> -> memref<1x128x64xf32, #tpu.memory_space<vmem>>
    %dma_wait3A_301 = tpu.memref_squeeze %dma_wait3A_300 : memref<1x128x64xf32, #tpu.memory_space<vmem>> -> memref<128x64xf32, #tpu.memory_space<vmem>>
    tpu.wait_dma2 semaphore(%arg15 : memref<!tpu.dma_semaphore, #tpu.memory_space<semaphore_mem>>) src(%dma_wait3A_301 : memref<128x64xf32, #tpu.memory_space<vmem>>) dst(%dma_wait3A_297 : memref<128x64xf32, #tpu.memory_space<hbm>>)
    %add3A_302 = arith.constant 7296 : i32
    %add3A_303 = arith.addi %mul3A_2, %add3A_302 : i32
    %dma_wait3A_304 = arith.constant 1 : i32
    %dma_wait3A_305 = arith.constant 0 : i32
    %dma_wait3A_306 = arith.constant 0 : i32
    %dma_wait3A_307 = tpu.memref_slice %arg6[%dma_wait3A_304, %dma_wait3A_305, %dma_wait3A_306] : memref<8x128x64xf32, #tpu.memory_space<vmem>> -> memref<1x128x64xf32, #tpu.memory_space<vmem>>
    %dma_wait3A_308 = tpu.memref_squeeze %dma_wait3A_307 : memref<1x128x64xf32, #tpu.memory_space<vmem>> -> memref<128x64xf32, #tpu.memory_space<vmem>>
    %dma_wait3A_309 = arith.constant 0 : i32
    %dma_wait3A_310 = tpu.memref_slice %arg4[%add3A_303, %dma_wait3A_309] : memref<262144x64xf32, #tpu.memory_space<hbm>> -> memref<128x64xf32, #tpu.memory_space<hbm>>
    %dma_wait3A_311 = arith.constant 0 : i32
    %dma_wait3A_312 = tpu.memref_slice %arg4[%add3A_303, %dma_wait3A_311] : memref<262144x64xf32, #tpu.memory_space<hbm>> -> memref<128x64xf32, #tpu.memory_space<hbm>>
    %dma_wait3A_313 = arith.constant 0 : i32
    %dma_wait3A_314 = arith.constant 0 : i32
    %dma_wait3A_315 = tpu.memref_slice %arg6[%dma_wait3A_304, %dma_wait3A_313, %dma_wait3A_314] : memref<8x128x64xf32, #tpu.memory_space<vmem>> -> memref<1x128x64xf32, #tpu.memory_space<vmem>>
    %dma_wait3A_316 = tpu.memref_squeeze %dma_wait3A_315 : memref<1x128x64xf32, #tpu.memory_space<vmem>> -> memref<128x64xf32, #tpu.memory_space<vmem>>
    tpu.wait_dma2 semaphore(%arg16 : memref<!tpu.dma_semaphore, #tpu.memory_space<semaphore_mem>>) src(%dma_wait3A_316 : memref<128x64xf32, #tpu.memory_space<vmem>>) dst(%dma_wait3A_312 : memref<128x64xf32, #tpu.memory_space<hbm>>)
    %add3A_317 = arith.constant 7424 : i32
    %add3A_318 = arith.addi %mul3A_2, %add3A_317 : i32
    %dma_wait3A_319 = arith.constant 2 : i32
    %dma_wait3A_320 = arith.constant 0 : i32
    %dma_wait3A_321 = arith.constant 0 : i32
    %dma_wait3A_322 = tpu.memref_slice %arg6[%dma_wait3A_319, %dma_wait3A_320, %dma_wait3A_321] : memref<8x128x64xf32, #tpu.memory_space<vmem>> -> memref<1x128x64xf32, #tpu.memory_space<vmem>>
    %dma_wait3A_323 = tpu.memref_squeeze %dma_wait3A_322 : memref<1x128x64xf32, #tpu.memory_space<vmem>> -> memref<128x64xf32, #tpu.memory_space<vmem>>
    %dma_wait3A_324 = arith.constant 0 : i32
    %dma_wait3A_325 = tpu.memref_slice %arg4[%add3A_318, %dma_wait3A_324] : memref<262144x64xf32, #tpu.memory_space<hbm>> -> memref<128x64xf32, #tpu.memory_space<hbm>>
    %dma_wait3A_326 = arith.constant 0 : i32
    %dma_wait3A_327 = tpu.memref_slice %arg4[%add3A_318, %dma_wait3A_326] : memref<262144x64xf32, #tpu.memory_space<hbm>> -> memref<128x64xf32, #tpu.memory_space<hbm>>
    %dma_wait3A_328 = arith.constant 0 : i32
    %dma_wait3A_329 = arith.constant 0 : i32
    %dma_wait3A_330 = tpu.memref_slice %arg6[%dma_wait3A_319, %dma_wait3A_328, %dma_wait3A_329] : memref<8x128x64xf32, #tpu.memory_space<vmem>> -> memref<1x128x64xf32, #tpu.memory_space<vmem>>
    %dma_wait3A_331 = tpu.memref_squeeze %dma_wait3A_330 : memref<1x128x64xf32, #tpu.memory_space<vmem>> -> memref<128x64xf32, #tpu.memory_space<vmem>>
    tpu.wait_dma2 semaphore(%arg17 : memref<!tpu.dma_semaphore, #tpu.memory_space<semaphore_mem>>) src(%dma_wait3A_331 : memref<128x64xf32, #tpu.memory_space<vmem>>) dst(%dma_wait3A_327 : memref<128x64xf32, #tpu.memory_space<hbm>>)
    %add3A_332 = arith.constant 7552 : i32
    %add3A_333 = arith.addi %mul3A_2, %add3A_332 : i32
    %dma_wait3A_334 = arith.constant 3 : i32
    %dma_wait3A_335 = arith.constant 0 : i32
    %dma_wait3A_336 = arith.constant 0 : i32
    %dma_wait3A_337 = tpu.memref_slice %arg6[%dma_wait3A_334, %dma_wait3A_335, %dma_wait3A_336] : memref<8x128x64xf32, #tpu.memory_space<vmem>> -> memref<1x128x64xf32, #tpu.memory_space<vmem>>
    %dma_wait3A_338 = tpu.memref_squeeze %dma_wait3A_337 : memref<1x128x64xf32, #tpu.memory_space<vmem>> -> memref<128x64xf32, #tpu.memory_space<vmem>>
    %dma_wait3A_339 = arith.constant 0 : i32
    %dma_wait3A_340 = tpu.memref_slice %arg4[%add3A_333, %dma_wait3A_339] : memref<262144x64xf32, #tpu.memory_space<hbm>> -> memref<128x64xf32, #tpu.memory_space<hbm>>
    %dma_wait3A_341 = arith.constant 0 : i32
    %dma_wait3A_342 = tpu.memref_slice %arg4[%add3A_333, %dma_wait3A_341] : memref<262144x64xf32, #tpu.memory_space<hbm>> -> memref<128x64xf32, #tpu.memory_space<hbm>>
    %dma_wait3A_343 = arith.constant 0 : i32
    %dma_wait3A_344 = arith.constant 0 : i32
    %dma_wait3A_345 = tpu.memref_slice %arg6[%dma_wait3A_334, %dma_wait3A_343, %dma_wait3A_344] : memref<8x128x64xf32, #tpu.memory_space<vmem>> -> memref<1x128x64xf32, #tpu.memory_space<vmem>>
    %dma_wait3A_346 = tpu.memref_squeeze %dma_wait3A_345 : memref<1x128x64xf32, #tpu.memory_space<vmem>> -> memref<128x64xf32, #tpu.memory_space<vmem>>
    tpu.wait_dma2 semaphore(%arg18 : memref<!tpu.dma_semaphore, #tpu.memory_space<semaphore_mem>>) src(%dma_wait3A_346 : memref<128x64xf32, #tpu.memory_space<vmem>>) dst(%dma_wait3A_342 : memref<128x64xf32, #tpu.memory_space<hbm>>)
    %add3A_347 = arith.constant 7680 : i32
    %add3A_348 = arith.addi %mul3A_2, %add3A_347 : i32
    %dma_wait3A_349 = arith.constant 4 : i32
    %dma_wait3A_350 = arith.constant 0 : i32
    %dma_wait3A_351 = arith.constant 0 : i32
    %dma_wait3A_352 = tpu.memref_slice %arg6[%dma_wait3A_349, %dma_wait3A_350, %dma_wait3A_351] : memref<8x128x64xf32, #tpu.memory_space<vmem>> -> memref<1x128x64xf32, #tpu.memory_space<vmem>>
    %dma_wait3A_353 = tpu.memref_squeeze %dma_wait3A_352 : memref<1x128x64xf32, #tpu.memory_space<vmem>> -> memref<128x64xf32, #tpu.memory_space<vmem>>
    %dma_wait3A_354 = arith.constant 0 : i32
    %dma_wait3A_355 = tpu.memref_slice %arg4[%add3A_348, %dma_wait3A_354] : memref<262144x64xf32, #tpu.memory_space<hbm>> -> memref<128x64xf32, #tpu.memory_space<hbm>>
    %dma_wait3A_356 = arith.constant 0 : i32
    %dma_wait3A_357 = tpu.memref_slice %arg4[%add3A_348, %dma_wait3A_356] : memref<262144x64xf32, #tpu.memory_space<hbm>> -> memref<128x64xf32, #tpu.memory_space<hbm>>
    %dma_wait3A_358 = arith.constant 0 : i32
    %dma_wait3A_359 = arith.constant 0 : i32
    %dma_wait3A_360 = tpu.memref_slice %arg6[%dma_wait3A_349, %dma_wait3A_358, %dma_wait3A_359] : memref<8x128x64xf32, #tpu.memory_space<vmem>> -> memref<1x128x64xf32, #tpu.memory_space<vmem>>
    %dma_wait3A_361 = tpu.memref_squeeze %dma_wait3A_360 : memref<1x128x64xf32, #tpu.memory_space<vmem>> -> memref<128x64xf32, #tpu.memory_space<vmem>>
    tpu.wait_dma2 semaphore(%arg19 : memref<!tpu.dma_semaphore, #tpu.memory_space<semaphore_mem>>) src(%dma_wait3A_361 : memref<128x64xf32, #tpu.memory_space<vmem>>) dst(%dma_wait3A_357 : memref<128x64xf32, #tpu.memory_space<hbm>>)
    %add3A_362 = arith.constant 7808 : i32
    %add3A_363 = arith.addi %mul3A_2, %add3A_362 : i32
    %dma_wait3A_364 = arith.constant 5 : i32
    %dma_wait3A_365 = arith.constant 0 : i32
    %dma_wait3A_366 = arith.constant 0 : i32
    %dma_wait3A_367 = tpu.memref_slice %arg6[%dma_wait3A_364, %dma_wait3A_365, %dma_wait3A_366] : memref<8x128x64xf32, #tpu.memory_space<vmem>> -> memref<1x128x64xf32, #tpu.memory_space<vmem>>
    %dma_wait3A_368 = tpu.memref_squeeze %dma_wait3A_367 : memref<1x128x64xf32, #tpu.memory_space<vmem>> -> memref<128x64xf32, #tpu.memory_space<vmem>>
    %dma_wait3A_369 = arith.constant 0 : i32
    %dma_wait3A_370 = tpu.memref_slice %arg4[%add3A_363, %dma_wait3A_369] : memref<262144x64xf32, #tpu.memory_space<hbm>> -> memref<128x64xf32, #tpu.memory_space<hbm>>
    %dma_wait3A_371 = arith.constant 0 : i32
    %dma_wait3A_372 = tpu.memref_slice %arg4[%add3A_363, %dma_wait3A_371] : memref<262144x64xf32, #tpu.memory_space<hbm>> -> memref<128x64xf32, #tpu.memory_space<hbm>>
    %dma_wait3A_373 = arith.constant 0 : i32
    %dma_wait3A_374 = arith.constant 0 : i32
    %dma_wait3A_375 = tpu.memref_slice %arg6[%dma_wait3A_364, %dma_wait3A_373, %dma_wait3A_374] : memref<8x128x64xf32, #tpu.memory_space<vmem>> -> memref<1x128x64xf32, #tpu.memory_space<vmem>>
    %dma_wait3A_376 = tpu.memref_squeeze %dma_wait3A_375 : memref<1x128x64xf32, #tpu.memory_space<vmem>> -> memref<128x64xf32, #tpu.memory_space<vmem>>
    tpu.wait_dma2 semaphore(%arg20 : memref<!tpu.dma_semaphore, #tpu.memory_space<semaphore_mem>>) src(%dma_wait3A_376 : memref<128x64xf32, #tpu.memory_space<vmem>>) dst(%dma_wait3A_372 : memref<128x64xf32, #tpu.memory_space<hbm>>)
    %add3A_377 = arith.constant 7936 : i32
    %add3A_378 = arith.addi %mul3A_2, %add3A_377 : i32
    %dma_wait3A_379 = arith.constant 6 : i32
    %dma_wait3A_380 = arith.constant 0 : i32
    %dma_wait3A_381 = arith.constant 0 : i32
    %dma_wait3A_382 = tpu.memref_slice %arg6[%dma_wait3A_379, %dma_wait3A_380, %dma_wait3A_381] : memref<8x128x64xf32, #tpu.memory_space<vmem>> -> memref<1x128x64xf32, #tpu.memory_space<vmem>>
    %dma_wait3A_383 = tpu.memref_squeeze %dma_wait3A_382 : memref<1x128x64xf32, #tpu.memory_space<vmem>> -> memref<128x64xf32, #tpu.memory_space<vmem>>
    %dma_wait3A_384 = arith.constant 0 : i32
    %dma_wait3A_385 = tpu.memref_slice %arg4[%add3A_378, %dma_wait3A_384] : memref<262144x64xf32, #tpu.memory_space<hbm>> -> memref<128x64xf32, #tpu.memory_space<hbm>>
    %dma_wait3A_386 = arith.constant 0 : i32
    %dma_wait3A_387 = tpu.memref_slice %arg4[%add3A_378, %dma_wait3A_386] : memref<262144x64xf32, #tpu.memory_space<hbm>> -> memref<128x64xf32, #tpu.memory_space<hbm>>
    %dma_wait3A_388 = arith.constant 0 : i32
    %dma_wait3A_389 = arith.constant 0 : i32
    %dma_wait3A_390 = tpu.memref_slice %arg6[%dma_wait3A_379, %dma_wait3A_388, %dma_wait3A_389] : memref<8x128x64xf32, #tpu.memory_space<vmem>> -> memref<1x128x64xf32, #tpu.memory_space<vmem>>
    %dma_wait3A_391 = tpu.memref_squeeze %dma_wait3A_390 : memref<1x128x64xf32, #tpu.memory_space<vmem>> -> memref<128x64xf32, #tpu.memory_space<vmem>>
    tpu.wait_dma2 semaphore(%arg21 : memref<!tpu.dma_semaphore, #tpu.memory_space<semaphore_mem>>) src(%dma_wait3A_391 : memref<128x64xf32, #tpu.memory_space<vmem>>) dst(%dma_wait3A_387 : memref<128x64xf32, #tpu.memory_space<hbm>>)
    %add3A_392 = arith.constant 8064 : i32
    %add3A_393 = arith.addi %mul3A_2, %add3A_392 : i32
    %dma_wait3A_394 = arith.constant 7 : i32
    %dma_wait3A_395 = arith.constant 0 : i32
    %dma_wait3A_396 = arith.constant 0 : i32
    %dma_wait3A_397 = tpu.memref_slice %arg6[%dma_wait3A_394, %dma_wait3A_395, %dma_wait3A_396] : memref<8x128x64xf32, #tpu.memory_space<vmem>> -> memref<1x128x64xf32, #tpu.memory_space<vmem>>
    %dma_wait3A_398 = tpu.memref_squeeze %dma_wait3A_397 : memref<1x128x64xf32, #tpu.memory_space<vmem>> -> memref<128x64xf32, #tpu.memory_space<vmem>>
    %dma_wait3A_399 = arith.constant 0 : i32
    %dma_wait3A_400 = tpu.memref_slice %arg4[%add3A_393, %dma_wait3A_399] : memref<262144x64xf32, #tpu.memory_space<hbm>> -> memref<128x64xf32, #tpu.memory_space<hbm>>
    %dma_wait3A_401 = arith.constant 0 : i32
    %dma_wait3A_402 = tpu.memref_slice %arg4[%add3A_393, %dma_wait3A_401] : memref<262144x64xf32, #tpu.memory_space<hbm>> -> memref<128x64xf32, #tpu.memory_space<hbm>>
    %dma_wait3A_403 = arith.constant 0 : i32
    %dma_wait3A_404 = arith.constant 0 : i32
    %dma_wait3A_405 = tpu.memref_slice %arg6[%dma_wait3A_394, %dma_wait3A_403, %dma_wait3A_404] : memref<8x128x64xf32, #tpu.memory_space<vmem>> -> memref<1x128x64xf32, #tpu.memory_space<vmem>>
    %dma_wait3A_406 = tpu.memref_squeeze %dma_wait3A_405 : memref<1x128x64xf32, #tpu.memory_space<vmem>> -> memref<128x64xf32, #tpu.memory_space<vmem>>
    tpu.wait_dma2 semaphore(%arg22 : memref<!tpu.dma_semaphore, #tpu.memory_space<semaphore_mem>>) src(%dma_wait3A_406 : memref<128x64xf32, #tpu.memory_space<vmem>>) dst(%dma_wait3A_402 : memref<128x64xf32, #tpu.memory_space<hbm>>)
    return
  }
}

</mosaic_0001>

<sc_bundles>
// kernel: kernel.3.cloned.1.call-start
scs
__scs_entry_jumppad:
0x0: {  	(pc) =	sbr.rel $0x88, $3  }
0x1: {  	(tag) =	ssettag $0x0;
	lr =	simm.s32 $0x1  }
0x2: {  	[smem:$0x3F9F] =	sst lr;
	_ =	strace $0xD0000000  }
0x3: {  	_ = 	snop  }
0x4: {  	_ = 	snop  }
0x5: {  	_ = 	snop  }
0x6: {  	_ = 	snop  }
0x7: {  	_ = 	snop  }
__scs_overlays_trampoline_lowered:
0x8: {  	[smem:$0x3FAE] =	sst s0  }
0x9: {  	[smem:$0x3FAF] =	sst s1  }
0xa: {  	[smem:$0x3FB0] =	sst s2  }
0xb: {  	[smem:$0x3FB1] =	sst s3  }
0xc: {  	[smem:$0x3FB2] =	sst s4  }
0xd: {  	[smem:$0x3FB3] =	sst s5  }
0xe: {  	[smem:$0x3FB4] =	sst s6  }
0xf: {  	[smem:$0x3FB5] =	sst s7  }
0x10: {  	[smem:$0x3FB6] =	sst s8  }
0x11: {  	[smem:$0x3FB7] =	sst s9;
	s0 =	simm.s32 @!p0 $0x0  }
0x12: {  	s1 =	sld [smem:$0x3F9D];
	s0 =	simm.s32 @p0 $0x1  }
0x13: {  	[smem:$0x3FB8] =	sst s0;
	s0 =	simm.s32 @!p1 $0x0  }
0x14: {  	s2 =	sld [smem:$0x3F9C];
	s0 =	simm.s32 @p1 $0x1  }
0x15: {  	[smem:$0x3FB9] =	sst s0;
	s0 =	simm.s32 @!p2 $0x0  }
0x16: {  	s3 =	sld [smem:$0x3FDB];
	s0 =	simm.s32 @p2 $0x1  }
0x17: {  	s4 =	simm.s32 $0x1BF5;
	[smem:$0x3FBB] =	sst s0  }
0x18: {  	s0 =	sld [smem:$0x3F9E];
	_ =	swait.ge [sflag:s4], $0x0  }
0x19: {  	s7 =	sld [smem:$0x3F9F]  }
0x1a: {  	s8 =	sadd.s32 $0xFFFFE003, lr  }
0x1b: {  	s9 =	sadd.s32 $0xFFFFFEF7, lr;
	s5 =	simm.s32 $0xFFFFFFFF;
	p2 =	slt.u32 s8, $0xFFFFF086  }
0x1c: {  	p1 =	slt.u32 s9, $0xF7A;
	s5 =	simm.s32 @!p2 $0x0  }
0x1d: {  	s5 =	simm.s32 @p1 $0x1;
	p0 =	seq.s32 s7, s2  }
0x1e: {  	s7 =	smul.u32 @!p0 $0xF7A, s2;
	p2 =	seq.s32 @!p0 s5, $0x0  }
0x1f: {  	s9 =	smul.u32 $0xF7A, s1;
	s8 =	simm.s32 @!p0 $0x1BF5;
	p2 =	por !p2, p0  }
0x20: {  	[sflag:s8] =	ssyncset.s32 @!p0 $0xFFFFF086;
	s6 =	sadd.s32 @!p0 s3, s7;
	s7 =	simm.s32 @!p0 $0x108  }
0x21: {  	s3 =	sadd.s32 s3, s9;
	s6 =	sadd.s32 @!p0 $0x88, s6;
	s7 =	simm.s32 @p2 $0x1082  }
0x22: {  	[simem:s7], [sflag:s8] =	dma.local @!p0 [hbm:s6], $0xF7A  }
0x23: {  	s9 =	sor.u32 $0xD0000000, s2;
	s6 =	simm.s32 $0x108;
	_ =	swait.ge @!p0 [sflag:s8], $0x0  }
0x24: {  	s3 =	sadd.s32 $0x88, s3;
	s6 =	simm.s32 @!p1 $0x1082;
	[sflag:s4] =	ssyncset.s32 $0xFFFFF086  }
0x25: {  	[simem:s6], [sflag:s4] =	dma.local [hbm:s3], $0xF7A  }
0x26: {  	[smem:$0x3F9F] =	sst s1;
	(tag) =	ssettag s2;
	_ =	strace s9  }
0x27: {  	s1 =	sld [smem:$0x3FAF]  }
0x28: {  	s2 =	sld [smem:$0x3FB0]  }
0x29: {  	s4 =	sld [smem:$0x3FB2]  }
0x2a: {  	p0 =	seq.s32 s5, $0x0;
	s5 =	sld [smem:$0x3FB3]  }
0x2b: {  	s6 =	sld [smem:$0x3FB4]  }
0x2c: {  	s7 =	sld [smem:$0x3FB5]  }
0x2d: {  	s3 =	simm.s32 $0x108;
	s8 =	sld [smem:$0x3FB6]  }
0x2e: {  	s3 =	simm.s32 @!p0 $0x1082;
	s9 =	sld [smem:$0x3FB7]  }
0x2f: {  	lr =	sadd.s32 s0, s3;
	s0 =	sld [smem:$0x3FAE]  }
0x30: {  	s3 =	sld [smem:$0x3FB1]  }
0x31: {  	[smem:$0x3FBA] =	sst s10  }
0x32: {  	s10 =	sld [smem:$0x3FB8];
	_ =	sdelay $0x3  }
0x33: {  	p0 =	seq.s32 s10, $0x1;
	s10 =	sld [smem:$0x3FBA];
	_ =	sdelay $0x3  }
0x34: {  	[smem:$0x3FBA] =	sst s10  }
0x35: {  	s10 =	sld [smem:$0x3FB9];
	_ =	sdelay $0x3  }
0x36: {  	p1 =	seq.s32 s10, $0x1;
	s10 =	sld [smem:$0x3FBA];
	_ =	sdelay $0x3  }
0x37: {  	[smem:$0x3FBA] =	sst s10  }
0x38: {  	s10 =	sld [smem:$0x3FBB]  }
0x39: {  	_ = 	snop;
	(pc) =	sbr.ind lr, $3  }
0x3a: {  	_ = 	snop  }
0x3b: {  	_ = 	snop  }
0x3c: {  	p2 =	seq.s32 s10, $0x1;
	s10 =	sld [smem:$0x3FBA]  }
0x3d: {  	_ =	shalt  }
0x3e: {  	_ =	shalt  }
0x3f: {  	_ =	shalt  }
0x40: {  	_ =	shalt  }
0x41: {  	_ =	shalt  }
0x42: {  	_ =	shalt  }
0x43: {  	_ =	shalt  }
0x44: {  	_ =	shalt  }
0x45: {  	_ =	shalt  }
0x46: {  	_ =	shalt  }
0x47: {  	_ =	shalt  }
0x48: {  	_ =	shalt  }
0x49: {  	_ =	shalt  }
0x4a: {  	_ =	shalt  }
0x4b: {  	_ =	shalt  }
0x4c: {  	_ =	shalt  }
0x4d: {  	_ =	shalt  }
0x4e: {  	_ =	shalt  }
0x4f: {  	_ =	shalt  }
0x50: {  	_ =	shalt  }
0x51: {  	_ =	shalt  }
0x52: {  	_ =	shalt  }
0x53: {  	_ =	shalt  }
0x54: {  	_ =	shalt  }
0x55: {  	_ =	shalt  }
0x56: {  	_ =	shalt  }
0x57: {  	_ =	shalt  }
0x58: {  	_ =	shalt  }
0x59: {  	_ =	shalt  }
0x5a: {  	_ =	shalt  }
0x5b: {  	_ =	shalt  }
0x5c: {  	_ =	shalt  }
0x5d: {  	_ =	shalt  }
0x5e: {  	_ =	shalt  }
0x5f: {  	_ =	shalt  }
0x60: {  	_ =	shalt  }
0x61: {  	_ =	shalt  }
0x62: {  	_ =	shalt  }
0x63: {  	_ =	shalt  }
0x64: {  	_ =	shalt  }
0x65: {  	_ =	shalt  }
0x66: {  	_ =	shalt  }
0x67: {  	_ =	shalt  }
0x68: {  	_ =	shalt  }
0x69: {  	_ =	shalt  }
0x6a: {  	_ =	shalt  }
0x6b: {  	_ =	shalt  }
0x6c: {  	_ =	shalt  }
0x6d: {  	_ =	shalt  }
0x6e: {  	_ =	shalt  }
0x6f: {  	_ =	shalt  }
0x70: {  	_ =	shalt  }
0x71: {  	_ =	shalt  }
0x72: {  	_ =	shalt  }
0x73: {  	_ =	shalt  }
0x74: {  	_ =	shalt  }
0x75: {  	_ =	shalt  }
0x76: {  	_ =	shalt  }
0x77: {  	_ =	shalt  }
0x78: {  	_ =	shalt  }
0x79: {  	_ =	shalt  }
0x7a: {  	_ =	shalt  }
0x7b: {  	_ =	shalt  }
0x7c: {  	_ =	shalt  }
0x7d: {  	_ =	shalt  }
0x7e: {  	_ =	shalt  }
0x7f: {  	_ =	shalt  }
0x80: {  	_ =	shalt  }
0x81: {  	_ =	shalt  }
0x82: {  	_ =	shalt  }
0x83: {  	_ =	shalt  }
0x84: {  	_ =	shalt  }
0x85: {  	_ =	shalt  }
0x86: {  	_ =	shalt  }
0x87: {  	_ =	shalt  }
.Lfunc_end0:
.L_simem_size_0:
called_computation_lowered:
.L_overlay_start_0:
0x88: {  	s2 =	sld [smem:$0x3FD9]  }
0x89: {  	s3 =	sld [smem:$0x3FFE];
	_ =	sdelay $0x1  }
0x8a: {  	s1 =	srdreg.scid  }
0x8b: {  	s0 =	sand.u32 $0x1, s1  }
0x8c: {  	s16 =	sshll.u32 s0, $0xA;
	s2 =	sadd.s32 s3, s2  }
0x8d: {  	s2 =	sadd.s32 s2, s16  }
0x8e: {  	[smem:$0x3FC6] =	sst s2  }
0x8f: {  	_ = 	snop  }
0x90: {  	(tm) =	ssettm $0x1  }
0x91: {  	s17 =	sld [smem:$0x3FFB];
	_ =	sdelay $0x3  }
0x92: {  	_ =	strace s17  }
0x93: {  	s2 =	sld [smem:$0x3FFC];
	_ =	sdelay $0x3  }
0x94: {  	_ =	strace s2  }
0x95: {  	s2 =	sld [smem:$0x3FFD];
	_ =	sdelay $0x3  }
0x96: {  	_ =	strace s2  }
0x97: {  	_ =	strace $0x8FFFFFFF  }
0x98: {  	s18 =	sld [smem:$0x3FDB];
	_ =	sdelay $0x1  }
0x99: {  	s19 =	simm.s32 $_scs_section_size  }
0x9a: {  	s4 =	simm.s32 $_size__tile_overlayer_lowered;
	s5 =	simm.s32 $_tile_overlayer_lowered  }
0x9b: {  	s22 =	simm.s32 $0x1BFF;
	s21 =	sshll.u32 s5, $0x1;
	s2 =	sadd.s32 s19, s18  }
0x9c: {  	s6 =	simm.s32 $0x0;
	s20 =	sshll.u32 s4, $0x1;
	s4 =	sadd.s32 s21, s2  }
0x9d: {  	[timem:s6], [sflag:s22] =	dma.local [hbm:s4], s20  }
0x9e: {  	_ =	swait.ge [sflag:s22], s20  }
0x9f: {  	s3 =	ssub.s32 $0x0, s20;
	[sflag:s22] =	ssyncset.done $0x0  }
0xa0: {  	[sflag:s22] =	ssyncadd.s32 s3;
	_ =	sdelay $0x1  }
0xa1: {  	s23 =	simm.s32 $0x1B8B  }
0xa2: {  	_ =	swait.ge [sflag:s23], $0x1  }
0xa3: {  	[sflag:s23] =	ssyncset.done $0x0  }
0xa4: {  	s25 =	simm.s32 $0x1B8E;
	s24 =	sld [smem:$0x3FFE];
	[sflag:s23] =	ssyncadd.s32 $0xFFFFFFFF  }
0xa5: {  	s26 =	simm.s32 $execute0_lowered;
	[smem:$0x3FD2] =	sst s25  }
0xa6: {  	s4 =	sshll.u32 s26, $0x1;
	_ =	strace $0x80000046;
	[dreg:$0x1] =	wrdreg $0xFFFFFFFF  }
0xa7: {  	s28 =	simm.s32 $_size_execute0_lowered;
	s2 =	sadd.s32 s2, s4;
	[dreg:$0x0] =	wrdreg $0x0  }
0xa8: {  	s4 =	sshll.u32 s28, $0x1;
	[dreg:$0x2] =	wrdreg s2  }
0xa9: {  	[dreg:$0x3] =	wrdreg s4  }
0xaa: {  	[dreg:$0x4] =	wrdreg $0xC0  }
0xab: {  	_ =	task [dreg:s6], $0x5FFFF  }
0xac: {  	[dreg:$0x1] =	wrdreg $0xFFFFFFFF  }
0xad: {  	[dreg:$0x0] =	wrdreg $0x60  }
0xae: {  	[dreg:$0x2] =	wrdreg s24  }
0xaf: {  	[dreg:$0x3] =	wrdreg $0x9  }
0xb0: {  	_ =	task.clear_ibuf [dreg:s6], $0x4FFFF;
	_ =	strace $0x90000046  }
0xb1: {  	s29 =	simm.s32 $0x9;
	_ =	strace $0x80000048  }
0xb2: {  	_ =	swait.ge [sflag:s29], $0x1  }
0xb3: {  	[sflag:s29] =	ssyncadd.s32 $0xFFFFFFFF  }
0xb4: {  	_ =	strace $0x90000048  }
0xb5: {  	_ =	sfence  }
0xb6: {  	s30 =	sld [smem:$0x0];
	_ =	sdelay $0x2  }
0xb7: {  	s31 =	sshll.u32 s1, $0xD;
	s1 =	sshrl.u32 s1, $0x2  }
0xb8: {  	s3 =	sand.u32 $0x4000, s31;
	s1 =	sadd.s32 s1, s30  }
0xb9: {  	s0 =	sor.u32 s3, s0;
	s1 =	sshll.u32 s1, $0x11  }
0xba: {  	s0 =	sor.u32 s1, s0  }
0xbb: {  	s0 =	sadd.s32 $0x8F2B, s0  }
0xbc: {  	[sflag:s0] =	ssyncadd.remote.s32 $0x1  }
0xbd: {  	_ =	sfence.sel $0xFFFF  }
0xbe: {  	[dreg:$0x0] =	wrdreg $0xFFFFFFFF;
	(pc) =	sbr.abs _section_cstart, $3  }
0xbf: {  	[dreg:$0x1] =	wrdreg $0xFFFFFFFF  }
0xc0: {  	_ =	task.clear_ibuf [dreg:s6], $0x2FFFF;
	_ =	strace $0x9FFFFFFF  }
0xc1: {  	(tm) =	ssettm $0x7FFFFFFF  }
tec
execute0_lowered:
.L_overlay_start_1:
0x0: {  	(tag) =	ssettag $0x1  }
0x1: {  	s0 =	rddreg [dreg:$0x0];
	s1 =	simm.s32 $0x0;
	s2 =	srdreg.scid  }
0x2: {  	s4 =	stileid.u32;
	s29 =	simm.s32 $0xE000;
	s31 =	simm.s32 $0x10000  }
0x3: {  	s28 =	simm.s32 $0x7;
	s30 =	simm.s32 $0x8;
	[smem:$0x7FF] =	sst s1  }
0x4: {  	s2 =	sand.u32 $0x1, s2;
	s3 =	sadd.s32 $0x8000, s0;
	s9 =	sadd.s32 $0xCB600, s0  }
0x5: {  	s8 =	sshll.u32 s4, $0xE;
	s10 =	sshll.u32 s4, $0x14;
	_ =	strace $0x80000047  }
0x6: {  	s5 =	ssub.s32 $0x2, s2;
	s7 =	sshll.u32 s2, $0xD;
	s2 =	sshll.u32 s2, $0x13  }
0x7: {  	[dreg:$0xa] =	wrdreg s9;
	s6 =	sshrl.u32 s5, $0x1;
	s2 =	sor.u32 s2, s10  }
0x8: {  	s5 =	ssub.s32 s5, s6;
	s6 =	sor.u32 s7, s8;
	s2 =	sshrl.u32 s2, $0x3  }
0x9: {  	s8 =	sshrl.u32 s6, $0x3;
	[dreg:$0x2] =	wrdreg s2;
	s26 =	smax.u32 s5, $0x1  }
0xa: {  	s6 =	sshll.u32 s6, $0x3;
	s0 =	sadd.s32 s0, s8;
	[dreg:$0x14] =	wrdreg s26  }
0xb: {  	s10 =	simm.s32 $0xE;
	s13 =	sor.u32 $0x1C00, s6;
	[dreg:$0xb] =	wrdreg s0  }
0xc: {  	s7 =	simm.s32 $0xB;
	s15 =	sor.u32 $0x1800, s6;
	[dreg:$0x3] =	wrdreg s13  }
0xd: {  	s2 =	simm.s32 $0x2;
	s17 =	sor.u32 $0x1400, s6;
	[dreg:$0x4] =	wrdreg s15  }
0xe: {  	s5 =	simm.s32 $0x9;
	s19 =	sor.u32 $0x1000, s6;
	[dreg:$0x5] =	wrdreg s17  }
0xf: {  	s11 =	sadd.s32 s6, s9;
	s21 =	sor.u32 $0xC00, s6;
	[dreg:$0x6] =	wrdreg s19  }
0x10: {  	s23 =	sor.u32 $0x800, s6;
	s25 =	sor.u32 $0x400, s6;
	[dreg:$0x7] =	wrdreg s21  }
0x11: {  	s26 =	simm.s32 $0xC000;
	s6 =	simm.s32 $0xA;
	[dreg:$0x8] =	wrdreg s23  }
0x12: {  	s8 =	simm.s32 $0xC;
	s12 =	sadd.s32 $0xE000, s11;
	[dreg:$0x9] =	wrdreg s25  }
0x13: {  	s9 =	simm.s32 $0xD;
	s14 =	sadd.s32 $0xE400, s11;
	[dreg:$0xc] =	wrdreg s12  }
0x14: {  	s16 =	sadd.s32 $0xE800, s11;
	s18 =	sadd.s32 $0xEC00, s11;
	[dreg:$0xd] =	wrdreg s14  }
0x15: {  	s20 =	sadd.s32 $0xF000, s11;
	s22 =	sadd.s32 $0xF400, s11;
	[dreg:$0xe] =	wrdreg s16  }
0x16: {  	s24 =	sadd.s32 $0xF800, s11;
	s0 =	sadd.s32 $0xFC00, s11;
	[dreg:$0xf] =	wrdreg s18  }
0x17: {  	s17 =	simm.s32 $0x2000;
	s19 =	simm.s32 $0x3;
	[dreg:$0x10] =	wrdreg s20  }
0x18: {  	s21 =	simm.s32 $0x4;
	s23 =	simm.s32 $0x5;
	[dreg:$0x11] =	wrdreg s22  }
0x19: {  	s25 =	simm.s32 $0x6;
	s11 =	simm.s32 $0xF;
	[dreg:$0x12] =	wrdreg s24  }
0x1a: {  	s13 =	simm.s32 $0x0;
	[dreg:$0x13] =	wrdreg s0;
	s16 =	simm.s32 $0x80  }
0x1b: {  	s18 =	simm.s32 $0x4000;
	s20 =	simm.s32 $0x6000;
	s22 =	simm.s32 $0x8000  }
0x1c: {  	s24 =	simm.s32 $0xA000;
	s0 =	simm.s32 $0x1;
	s12 =	simm.s32 $0x10  }
.LBB2_1:
0x1d: {  	[dreg:$0x15] =	wrdreg s13  }
0x1e: {  	s4 =	rddreg [dreg:$0xb];
	s14 =	simm.s32 $0x11  }
0x1f: {  	[tilespmem:s1], [sflag:$0x11] =	stream.linear.gather [hbm4b:s4+s1], $0x2000, $0x38;
	[tilespmem:$0x12000] =	vst v63  }
0x20: {  	_ =	swait.ge [sflag:s14], $0x2000  }
0x21: {  	[sflag:s14] =	ssyncset.done $0x0  }
0x22: {  	[sflag:s14] =	ssyncadd.s32 $0xFFFFE000  }
0x23: {  	[tilespmem:s17], [sflag:$0x1] =	stream.indirect.gather [hbm4b:s3+s16], $0x40, s1, s16, $0xb8;
	[tilespmem:$0x12000] =	vst v63  }
0x24: {  	_ = 	snop  }
0x25: {  	[tilespmem:s18], [sflag:$0x2] =	stream.indirect.gather [hbm4b:s3+s16], $0x40, s16, s16, $0xb8;
	[tilespmem:$0x12000] =	vst v63  }
0x26: {  	s15 =	simm.s32 $0x100  }
0x27: {  	[tilespmem:s20], [sflag:$0x3] =	stream.indirect.gather [hbm4b:s3+s16], $0x40, s15, s16, $0xb8;
	[tilespmem:$0x12000] =	vst v63  }
0x28: {  	s13 =	simm.s32 $0x180  }
0x29: {  	[tilespmem:s22], [sflag:$0x4] =	stream.indirect.gather [hbm4b:s3+s16], $0x40, s13, s16, $0xb8;
	[tilespmem:$0x12000] =	vst v63  }
0x2a: {  	s14 =	simm.s32 $0x200  }
0x2b: {  	[tilespmem:s24], [sflag:$0x5] =	stream.indirect.gather [hbm4b:s3+s16], $0x40, s14, s16, $0xb8;
	[tilespmem:$0x12000] =	vst v63  }
0x2c: {  	s15 =	simm.s32 $0x280  }
0x2d: {  	[tilespmem:s26], [sflag:$0x6] =	stream.indirect.gather [hbm4b:s3+s16], $0x40, s15, s16, $0xb8;
	[tilespmem:$0x12000] =	vst v63  }
0x2e: {  	s13 =	simm.s32 $0x300  }
0x2f: {  	[tilespmem:s29], [sflag:$0x7] =	stream.indirect.gather [hbm4b:s3+s16], $0x40, s13, s16, $0xb8;
	[tilespmem:$0x12000] =	vst v63  }
0x30: {  	s14 =	simm.s32 $0x380  }
0x31: {  	[tilespmem:s31], [sflag:$0x8] =	stream.indirect.gather [hbm4b:s3+s16], $0x40, s14, s16, $0xb8;
	[tilespmem:$0x12000] =	vst v63  }
0x32: {  	_ =	swait.ge [sflag:s0], $0x2000  }
0x33: {  	s15 =	rddreg [dreg:$0x2]  }
0x34: {  	[sflag:s0] =	ssyncset.done $0x0;
	s4 =	rddreg [dreg:$0xa]  }
0x35: {  	[sflag:s0] =	ssyncadd.s32 $0xFFFFE000;
	s13 =	sadd.s32 s4, s15  }
0x36: {  	[hbm4b:s13+s1] =	stream.linear.scatter [tilespmem:s17], [sflag:$0x9], $0x2000, $0x38;
	[tilespmem:$0x12000] =	vst v63  }
0x37: {  	_ =	swait.ge [sflag:s2], $0x2000  }
0x38: {  	s14 =	rddreg [dreg:$0x9];
	[sflag:s2] =	ssyncset.done $0x0  }
0x39: {  	[sflag:s2] =	ssyncadd.s32 $0xFFFFE000;
	s13 =	sadd.s32 s4, s14  }
0x3a: {  	[hbm4b:s13+s1] =	stream.linear.scatter [tilespmem:s18], [sflag:$0xA], $0x2000, $0x38;
	[tilespmem:$0x12000] =	vst v63  }
0x3b: {  	_ =	swait.ge [sflag:s19], $0x2000  }
0x3c: {  	s15 =	rddreg [dreg:$0x8];
	[sflag:s19] =	ssyncset.done $0x0  }
0x3d: {  	[sflag:s19] =	ssyncadd.s32 $0xFFFFE000;
	s13 =	sadd.s32 s4, s15  }
0x3e: {  	[hbm4b:s13+s1] =	stream.linear.scatter [tilespmem:s20], [sflag:$0xB], $0x2000, $0x38;
	[tilespmem:$0x12000] =	vst v63  }
0x3f: {  	_ =	swait.ge [sflag:s21], $0x2000  }
0x40: {  	s14 =	rddreg [dreg:$0x7];
	[sflag:s21] =	ssyncset.done $0x0  }
0x41: {  	[sflag:s21] =	ssyncadd.s32 $0xFFFFE000;
	s13 =	sadd.s32 s4, s14  }
0x42: {  	[hbm4b:s13+s1] =	stream.linear.scatter [tilespmem:s22], [sflag:$0xC], $0x2000, $0x38;
	[tilespmem:$0x12000] =	vst v63  }
0x43: {  	_ =	swait.ge [sflag:s23], $0x2000  }
0x44: {  	s15 =	rddreg [dreg:$0x6];
	[sflag:s23] =	ssyncset.done $0x0  }
0x45: {  	[sflag:s23] =	ssyncadd.s32 $0xFFFFE000;
	s13 =	sadd.s32 s4, s15  }
0x46: {  	[hbm4b:s13+s1] =	stream.linear.scatter [tilespmem:s24], [sflag:$0xD], $0x2000, $0x38;
	[tilespmem:$0x12000] =	vst v63  }
0x47: {  	_ =	swait.ge [sflag:s25], $0x2000  }
0x48: {  	s14 =	rddreg [dreg:$0x5];
	[sflag:s25] =	ssyncset.done $0x0  }
0x49: {  	[sflag:s25] =	ssyncadd.s32 $0xFFFFE000;
	s13 =	sadd.s32 s4, s14  }
0x4a: {  	[hbm4b:s13+s1] =	stream.linear.scatter [tilespmem:s26], [sflag:$0xE], $0x2000, $0x38;
	[tilespmem:$0x12000] =	vst v63  }
0x4b: {  	_ =	swait.ge [sflag:s28], $0x2000  }
0x4c: {  	s15 =	rddreg [dreg:$0x4];
	[sflag:s28] =	ssyncset.done $0x0  }
0x4d: {  	[sflag:s28] =	ssyncadd.s32 $0xFFFFE000;
	s13 =	sadd.s32 s4, s15  }
0x4e: {  	[hbm4b:s13+s1] =	stream.linear.scatter [tilespmem:s29], [sflag:$0xF], $0x2000, $0x38;
	[tilespmem:$0x12000] =	vst v63  }
0x4f: {  	_ =	swait.ge [sflag:s30], $0x2000  }
0x50: {  	s14 =	rddreg [dreg:$0x3];
	[sflag:s30] =	ssyncset.done $0x0  }
0x51: {  	[sflag:s30] =	ssyncadd.s32 $0xFFFFE000;
	s13 =	sadd.s32 s4, s14  }
0x52: {  	[hbm4b:s13+s1] =	stream.linear.scatter [tilespmem:s31], [sflag:$0x10], $0x2000, $0x38;
	[tilespmem:$0x12000] =	vst v63  }
0x53: {  	_ =	swait.ge [sflag:s5], $0x2000  }
0x54: {  	[sflag:s5] =	ssyncset.done $0x0  }
0x55: {  	s15 =	simm.s32 $0x400;
	[sflag:s5] =	ssyncadd.s32 $0xFFFFE000  }
0x56: {  	[tilespmem:s17], [sflag:$0x1] =	stream.indirect.gather [hbm4b:s3+s16], $0x40, s15, s16, $0xb8;
	[tilespmem:$0x12000] =	vst v63  }
0x57: {  	_ =	swait.ge [sflag:s6], $0x2000  }
0x58: {  	[sflag:s6] =	ssyncset.done $0x0  }
0x59: {  	s14 =	simm.s32 $0x480;
	[sflag:s6] =	ssyncadd.s32 $0xFFFFE000  }
0x5a: {  	[tilespmem:s18], [sflag:$0x2] =	stream.indirect.gather [hbm4b:s3+s16], $0x40, s14, s16, $0xb8;
	[tilespmem:$0x12000] =	vst v63  }
0x5b: {  	_ =	swait.ge [sflag:s7], $0x2000  }
0x5c: {  	[sflag:s7] =	ssyncset.done $0x0  }
0x5d: {  	s15 =	simm.s32 $0x500;
	[sflag:s7] =	ssyncadd.s32 $0xFFFFE000  }
0x5e: {  	[tilespmem:s20], [sflag:$0x3] =	stream.indirect.gather [hbm4b:s3+s16], $0x40, s15, s16, $0xb8;
	[tilespmem:$0x12000] =	vst v63  }
0x5f: {  	_ =	swait.ge [sflag:s8], $0x2000  }
0x60: {  	[sflag:s8] =	ssyncset.done $0x0  }
0x61: {  	s14 =	simm.s32 $0x580;
	[sflag:s8] =	ssyncadd.s32 $0xFFFFE000  }
0x62: {  	[tilespmem:s22], [sflag:$0x4] =	stream.indirect.gather [hbm4b:s3+s16], $0x40, s14, s16, $0xb8;
	[tilespmem:$0x12000] =	vst v63  }
0x63: {  	_ =	swait.ge [sflag:s9], $0x2000  }
0x64: {  	[sflag:s9] =	ssyncset.done $0x0  }
0x65: {  	s15 =	simm.s32 $0x600;
	[sflag:s9] =	ssyncadd.s32 $0xFFFFE000  }
0x66: {  	[tilespmem:s24], [sflag:$0x5] =	stream.indirect.gather [hbm4b:s3+s16], $0x40, s15, s16, $0xb8;
	[tilespmem:$0x12000] =	vst v63  }
0x67: {  	_ =	swait.ge [sflag:s10], $0x2000  }
0x68: {  	[sflag:s10] =	ssyncset.done $0x0  }
0x69: {  	s14 =	simm.s32 $0x680;
	[sflag:s10] =	ssyncadd.s32 $0xFFFFE000  }
0x6a: {  	[tilespmem:s26], [sflag:$0x6] =	stream.indirect.gather [hbm4b:s3+s16], $0x40, s14, s16, $0xb8;
	[tilespmem:$0x12000] =	vst v63  }
0x6b: {  	_ =	swait.ge [sflag:s11], $0x2000  }
0x6c: {  	[sflag:s11] =	ssyncset.done $0x0  }
0x6d: {  	s15 =	simm.s32 $0x700;
	[sflag:s11] =	ssyncadd.s32 $0xFFFFE000  }
0x6e: {  	[tilespmem:s29], [sflag:$0x7] =	stream.indirect.gather [hbm4b:s3+s16], $0x40, s15, s16, $0xb8;
	[tilespmem:$0x12000] =	vst v63  }
0x6f: {  	_ =	swait.ge [sflag:s12], $0x2000  }
0x70: {  	s13 =	simm.s32 $0x780;
	[sflag:s12] =	ssyncset.done $0x0  }
0x71: {  	s14 =	simm.s32 $0x1000;
	s15 =	sadd.s32 $0x2000, s4;
	[sflag:s12] =	ssyncadd.s32 $0xFFFFE000  }
.LBB2_2:
0x72: {  	[tilespmem:s31], [sflag:$0x8] =	stream.indirect.gather [hbm4b:s3+s16], $0x40, s13, s16, $0xb8;
	[tilespmem:$0x12000] =	vst v63  }
0x73: {  	_ =	swait.ge [sflag:s0], $0x2000  }
0x74: {  	s4 =	rddreg [dreg:$0x2];
	[sflag:s0] =	ssyncset.done $0x0  }
0x75: {  	[sflag:s0] =	ssyncadd.s32 $0xFFFFE000;
	s4 =	sadd.s32 s15, s4  }
0x76: {  	[hbm4b:s4+s1] =	stream.linear.scatter [tilespmem:s17], [sflag:$0x9], $0x2000, $0x38;
	[tilespmem:$0x12000] =	vst v63  }
0x77: {  	_ =	swait.ge [sflag:s2], $0x2000  }
0x78: {  	s4 =	rddreg [dreg:$0x9];
	[sflag:s2] =	ssyncset.done $0x0  }
0x79: {  	[sflag:s2] =	ssyncadd.s32 $0xFFFFE000;
	s4 =	sadd.s32 s15, s4  }
0x7a: {  	[hbm4b:s4+s1] =	stream.linear.scatter [tilespmem:s18], [sflag:$0xA], $0x2000, $0x38;
	[tilespmem:$0x12000] =	vst v63  }
0x7b: {  	_ =	swait.ge [sflag:s19], $0x2000  }
0x7c: {  	s4 =	rddreg [dreg:$0x8];
	[sflag:s19] =	ssyncset.done $0x0  }
0x7d: {  	[sflag:s19] =	ssyncadd.s32 $0xFFFFE000;
	s4 =	sadd.s32 s15, s4  }
0x7e: {  	[hbm4b:s4+s1] =	stream.linear.scatter [tilespmem:s20], [sflag:$0xB], $0x2000, $0x38;
	[tilespmem:$0x12000] =	vst v63  }
0x7f: {  	_ =	swait.ge [sflag:s21], $0x2000  }
0x80: {  	s4 =	rddreg [dreg:$0x7];
	[sflag:s21] =	ssyncset.done $0x0  }
0x81: {  	[sflag:s21] =	ssyncadd.s32 $0xFFFFE000;
	s4 =	sadd.s32 s15, s4  }
0x82: {  	[hbm4b:s4+s1] =	stream.linear.scatter [tilespmem:s22], [sflag:$0xC], $0x2000, $0x38;
	[tilespmem:$0x12000] =	vst v63  }
0x83: {  	_ =	swait.ge [sflag:s23], $0x2000  }
0x84: {  	s4 =	rddreg [dreg:$0x6];
	[sflag:s23] =	ssyncset.done $0x0  }
0x85: {  	[sflag:s23] =	ssyncadd.s32 $0xFFFFE000;
	s4 =	sadd.s32 s15, s4  }
0x86: {  	[hbm4b:s4+s1] =	stream.linear.scatter [tilespmem:s24], [sflag:$0xD], $0x2000, $0x38;
	[tilespmem:$0x12000] =	vst v63  }
0x87: {  	_ =	swait.ge [sflag:s25], $0x2000  }
0x88: {  	s4 =	rddreg [dreg:$0x5];
	[sflag:s25] =	ssyncset.done $0x0  }
0x89: {  	[sflag:s25] =	ssyncadd.s32 $0xFFFFE000;
	s4 =	sadd.s32 s15, s4  }
0x8a: {  	[hbm4b:s4+s1] =	stream.linear.scatter [tilespmem:s26], [sflag:$0xE], $0x2000, $0x38;
	[tilespmem:$0x12000] =	vst v63  }
0x8b: {  	_ =	swait.ge [sflag:s28], $0x2000  }
0x8c: {  	s4 =	rddreg [dreg:$0x4];
	[sflag:s28] =	ssyncset.done $0x0  }
0x8d: {  	[sflag:s28] =	ssyncadd.s32 $0xFFFFE000;
	s4 =	sadd.s32 s15, s4  }
0x8e: {  	[hbm4b:s4+s1] =	stream.linear.scatter [tilespmem:s29], [sflag:$0xF], $0x2000, $0x38;
	[tilespmem:$0x12000] =	vst v63  }
0x8f: {  	_ =	swait.ge [sflag:s30], $0x2000  }
0x90: {  	s4 =	rddreg [dreg:$0x3];
	[sflag:s30] =	ssyncset.done $0x0  }
0x91: {  	[sflag:s30] =	ssyncadd.s32 $0xFFFFE000;
	s4 =	sadd.s32 s15, s4  }
0x92: {  	[hbm4b:s4+s1] =	stream.linear.scatter [tilespmem:s31], [sflag:$0x10], $0x2000, $0x38;
	[tilespmem:$0x12000] =	vst v63  }
0x93: {  	s13 =	smov.u32 s14;
	_ =	swait.ge [sflag:s5], $0x2000  }
0x94: {  	s13 =	sshra.s32 s13, $0x2;
	[sflag:s5] =	ssyncset.done $0x0  }
0x95: {  	s4 =	sadd.s32 $0x400, s13;
	[sflag:s5] =	ssyncadd.s32 $0xFFFFE000  }
0x96: {  	[tilespmem:s17], [sflag:$0x1] =	stream.indirect.gather [hbm4b:s3+s16], $0x40, s4, s16, $0xb8;
	[tilespmem:$0x12000] =	vst v63  }
0x97: {  	_ =	swait.ge [sflag:s6], $0x2000  }
0x98: {  	[sflag:s6] =	ssyncset.done $0x0  }
0x99: {  	s4 =	sadd.s32 $0x480, s13;
	[sflag:s6] =	ssyncadd.s32 $0xFFFFE000  }
0x9a: {  	[tilespmem:s18], [sflag:$0x2] =	stream.indirect.gather [hbm4b:s3+s16], $0x40, s4, s16, $0xb8;
	[tilespmem:$0x12000] =	vst v63  }
0x9b: {  	_ =	swait.ge [sflag:s7], $0x2000  }
0x9c: {  	[sflag:s7] =	ssyncset.done $0x0  }
0x9d: {  	s4 =	sadd.s32 $0x500, s13;
	[sflag:s7] =	ssyncadd.s32 $0xFFFFE000  }
0x9e: {  	[tilespmem:s20], [sflag:$0x3] =	stream.indirect.gather [hbm4b:s3+s16], $0x40, s4, s16, $0xb8;
	[tilespmem:$0x12000] =	vst v63  }
0x9f: {  	_ =	swait.ge [sflag:s8], $0x2000  }
0xa0: {  	[sflag:s8] =	ssyncset.done $0x0  }
0xa1: {  	s4 =	sadd.s32 $0x580, s13;
	[sflag:s8] =	ssyncadd.s32 $0xFFFFE000  }
0xa2: {  	[tilespmem:s22], [sflag:$0x4] =	stream.indirect.gather [hbm4b:s3+s16], $0x40, s4, s16, $0xb8;
	[tilespmem:$0x12000] =	vst v63  }
0xa3: {  	_ =	swait.ge [sflag:s9], $0x2000  }
0xa4: {  	[sflag:s9] =	ssyncset.done $0x0  }
0xa5: {  	s4 =	sadd.s32 $0x600, s13;
	[sflag:s9] =	ssyncadd.s32 $0xFFFFE000  }
0xa6: {  	[tilespmem:s24], [sflag:$0x5] =	stream.indirect.gather [hbm4b:s3+s16], $0x40, s4, s16, $0xb8;
	[tilespmem:$0x12000] =	vst v63  }
0xa7: {  	_ =	swait.ge [sflag:s10], $0x2000  }
0xa8: {  	[sflag:s10] =	ssyncset.done $0x0  }
0xa9: {  	s4 =	sadd.s32 $0x680, s13;
	[sflag:s10] =	ssyncadd.s32 $0xFFFFE000  }
0xaa: {  	[tilespmem:s26], [sflag:$0x6] =	stream.indirect.gather [hbm4b:s3+s16], $0x40, s4, s16, $0xb8;
	[tilespmem:$0x12000] =	vst v63  }
0xab: {  	_ =	swait.ge [sflag:s11], $0x2000  }
0xac: {  	p0 =	sne.s32 s14, $0x6000;
	[sflag:s11] =	ssyncset.done $0x0  }
.Ltmp0:
0xad: {  	s4 =	sadd.s32 $0x700, s13;
	[sflag:s11] =	ssyncadd.s32 $0xFFFFE000;
	(pc) =	sbr.rel @p0 .LBB2_2-.Ltmp0, $4  }
0xae: {  	[tilespmem:s29], [sflag:$0x7] =	stream.indirect.gather [hbm4b:s3+s16], $0x40, s4, s16, $0xb8;
	[tilespmem:$0x12000] =	vst v63  }
0xaf: {  	_ =	swait.ge [sflag:s12], $0x2000  }
0xb0: {  	s14 =	sadd.s32 $0x1000, s14;
	[sflag:s12] =	ssyncset.done $0x0  }
0xb1: {  	s15 =	sadd.s32 $0x2000, s15;
	s13 =	sadd.s32 $0x780, s13;
	[sflag:s12] =	ssyncadd.s32 $0xFFFFE000  }
0xb2: {  	[tilespmem:s31], [sflag:$0x8] =	stream.indirect.gather [hbm4b:s3+s16], $0x40, s13, s16, $0xb8;
	[tilespmem:$0x12000] =	vst v63  }
0xb3: {  	_ =	swait.ge [sflag:s0], $0x2000  }
0xb4: {  	[sflag:s0] =	ssyncset.done $0x0  }
0xb5: {  	s4 =	rddreg [dreg:$0xc];
	[sflag:s0] =	ssyncadd.s32 $0xFFFFE000  }
0xb6: {  	[hbm4b:s4+s1] =	stream.linear.scatter [tilespmem:s17], [sflag:$0x9], $0x2000, $0x38;
	[tilespmem:$0x12000] =	vst v63  }
0xb7: {  	_ =	swait.ge [sflag:s2], $0x2000  }
0xb8: {  	[sflag:s2] =	ssyncset.done $0x0  }
0xb9: {  	s13 =	rddreg [dreg:$0xd];
	[sflag:s2] =	ssyncadd.s32 $0xFFFFE000  }
0xba: {  	[hbm4b:s13+s1] =	stream.linear.scatter [tilespmem:s18], [sflag:$0xA], $0x2000, $0x38;
	[tilespmem:$0x12000] =	vst v63  }
0xbb: {  	_ =	swait.ge [sflag:s19], $0x2000  }
0xbc: {  	[sflag:s19] =	ssyncset.done $0x0  }
0xbd: {  	s14 =	rddreg [dreg:$0xe];
	[sflag:s19] =	ssyncadd.s32 $0xFFFFE000  }
0xbe: {  	[hbm4b:s14+s1] =	stream.linear.scatter [tilespmem:s20], [sflag:$0xB], $0x2000, $0x38;
	[tilespmem:$0x12000] =	vst v63  }
0xbf: {  	_ =	swait.ge [sflag:s21], $0x2000  }
0xc0: {  	[sflag:s21] =	ssyncset.done $0x0  }
0xc1: {  	s15 =	rddreg [dreg:$0xf];
	[sflag:s21] =	ssyncadd.s32 $0xFFFFE000  }
0xc2: {  	[hbm4b:s15+s1] =	stream.linear.scatter [tilespmem:s22], [sflag:$0xC], $0x2000, $0x38;
	[tilespmem:$0x12000] =	vst v63  }
0xc3: {  	_ =	swait.ge [sflag:s23], $0x2000  }
0xc4: {  	[sflag:s23] =	ssyncset.done $0x0  }
0xc5: {  	s13 =	rddreg [dreg:$0x10];
	[sflag:s23] =	ssyncadd.s32 $0xFFFFE000  }
0xc6: {  	[hbm4b:s13+s1] =	stream.linear.scatter [tilespmem:s24], [sflag:$0xD], $0x2000, $0x38;
	[tilespmem:$0x12000] =	vst v63  }
0xc7: {  	_ =	swait.ge [sflag:s25], $0x2000  }
0xc8: {  	[sflag:s25] =	ssyncset.done $0x0  }
0xc9: {  	s14 =	rddreg [dreg:$0x11];
	[sflag:s25] =	ssyncadd.s32 $0xFFFFE000  }
0xca: {  	[hbm4b:s14+s1] =	stream.linear.scatter [tilespmem:s26], [sflag:$0xE], $0x2000, $0x38;
	[tilespmem:$0x12000] =	vst v63  }
0xcb: {  	_ =	swait.ge [sflag:s28], $0x2000  }
0xcc: {  	[sflag:s28] =	ssyncset.done $0x0  }
0xcd: {  	s15 =	rddreg [dreg:$0x12];
	[sflag:s28] =	ssyncadd.s32 $0xFFFFE000  }
0xce: {  	[hbm4b:s15+s1] =	stream.linear.scatter [tilespmem:s29], [sflag:$0xF], $0x2000, $0x38;
	[tilespmem:$0x12000] =	vst v63  }
0xcf: {  	_ =	swait.ge [sflag:s30], $0x2000  }
0xd0: {  	[sflag:s30] =	ssyncset.done $0x0  }
0xd1: {  	s13 =	rddreg [dreg:$0x13];
	[sflag:s30] =	ssyncadd.s32 $0xFFFFE000  }
0xd2: {  	[hbm4b:s13+s1] =	stream.linear.scatter [tilespmem:s31], [sflag:$0x10], $0x2000, $0x38;
	[tilespmem:$0x12000] =	vst v63  }
0xd3: {  	_ =	swait.ge [sflag:s5], $0x2000  }
0xd4: {  	[sflag:s5] =	ssyncset.done $0x0  }
0xd5: {  	[sflag:s5] =	ssyncadd.s32 $0xFFFFE000  }
0xd6: {  	_ =	swait.ge [sflag:s6], $0x2000  }
0xd7: {  	[sflag:s6] =	ssyncset.done $0x0  }
0xd8: {  	[sflag:s6] =	ssyncadd.s32 $0xFFFFE000  }
0xd9: {  	_ =	swait.ge [sflag:s7], $0x2000  }
0xda: {  	[sflag:s7] =	ssyncset.done $0x0  }
0xdb: {  	[sflag:s7] =	ssyncadd.s32 $0xFFFFE000  }
0xdc: {  	_ =	swait.ge [sflag:s8], $0x2000  }
0xdd: {  	[sflag:s8] =	ssyncset.done $0x0  }
0xde: {  	[sflag:s8] =	ssyncadd.s32 $0xFFFFE000  }
0xdf: {  	_ =	swait.ge [sflag:s9], $0x2000  }
0xe0: {  	[sflag:s9] =	ssyncset.done $0x0  }
0xe1: {  	[sflag:s9] =	ssyncadd.s32 $0xFFFFE000  }
0xe2: {  	_ =	swait.ge [sflag:s10], $0x2000  }
0xe3: {  	[sflag:s10] =	ssyncset.done $0x0  }
0xe4: {  	[sflag:s10] =	ssyncadd.s32 $0xFFFFE000  }
0xe5: {  	_ =	swait.ge [sflag:s11], $0x2000  }
0xe6: {  	[sflag:s11] =	ssyncset.done $0x0  }
0xe7: {  	[sflag:s11] =	ssyncadd.s32 $0xFFFFE000  }
0xe8: {  	_ =	swait.ge [sflag:s12], $0x2000  }
0xe9: {  	s14 =	rddreg [dreg:$0x15]  }
0xea: {  	s15 =	rddreg [dreg:$0x14];
	s13 =	sadd.s32 $0x1, s14  }
0xeb: {  	p0 =	sne.s32 s13, s15  }
.Ltmp1:
0xec: {  	_ = 	snop;
	(pc) =	sbr.rel @p0 .LBB2_1-.Ltmp1, $3  }
0xed: {  	_ =	sdelay $0x1  }
0xee: {  	[sflag:s12] =	ssyncset.done $0x0  }
0xef: {  	[sflag:s12] =	ssyncadd.s32 $0xFFFFE000  }
0xf0: {  	_ =	sfence.sel $0x180000  }
0xf1: {  	[bflag:$0x0] =	sbarrier.arrive $0xFFFF  }
0xf2: {  	_ =	strace $0x90000047  }
0xf3: {  	s0 =	stileid.u32;
	[bflag:$0x2] =	sbarrier.arrive $0xFFFF  }
0xf4: {  	p0 =	sne.s32 s0, $0x0;
	s0 =	rddreg [dreg:$0x1]  }
0xf5: {  	s0 =	sadd.s32 @!p0 $0x100000, s0  }
0xf6: {  	[sflag:s0] =	ssyncadd.tile.s32 @!p0 $0x1;
	_ =	shalt  }
.Lfunc_end2:
_tile_overlayer_lowered:
.L_overlay_start_2:
0xf7: {  	(tag) =	ssettag $0x2  }
0xf8: {  	s0 =	rddreg [dreg:$0x0];
	s2 =	stileid.u32  }
0xf9: {  	s1 =	rddreg [dreg:$0x1];
	p0 =	sne.s32 s2, $0x0  }
0xfa: {  	s3 =	rddreg [dreg:$0x2];
	[bflag:$0x3] =	sbarrier.arrive $0xFFFF;
	s2 =	simm.s32 @!p0 $0x1C11  }
0xfb: {  	[timem:s3], [sflag:s2] =	dma.local @!p0 [hbm:s0], s1  }
0xfc: {  	s0 =	simm.s32 @!p0 $0x11  }
0xfd: {  	_ =	swait.ge @!p0 [sflag:s0], s1  }
0xfe: {  	s1 =	ssub.s32 @!p0 $0x0, s1;
	[sflag:s0] =	ssyncset.done @!p0 $0x0  }
0xff: {  	[sflag:s0] =	ssyncadd.s32 @!p0 s1  }
0x100: {  	[bflag:$0x3] =	sbarrier.arrive $0xFFFF  }
0x101: {  	_ =	shalt  }

</sc_bundles>
